<compile_context>
chip_gen: v7x
topology: tpu7x:2x2x1
jax: 0.10.2.dev20260603
libtpu: 0.0.44.dev20260713+nightly
codegen_flags: <defaults>
</compile_context>

<pallas_src>
import functools

import jax
import jax.numpy as jnp
from jax import lax
from jax.experimental import pallas as pl
from jax.experimental.pallas import tpu as pltpu
from jax.experimental.pallas import tpu_sc as plsc

B = 16384
V = 100000
FEAT = 16
H = 64
D = H // 2

_OC = 8192


def _gather_sc(table_t, idx):
    info = plsc.get_sparse_core_info()
    n_oc = B // _OC
    mesh = plsc.VectorSubcoreMesh(core_axis_name="c", subcore_axis_name="s")

    @functools.partial(
        pl.kernel,
        mesh=mesh,
        compiler_params=pltpu.CompilerParams(needs_layout_passes=False),
        out_type=jax.ShapeDtypeStruct((D, B), jnp.float32),
        scratch_types=[
            pltpu.VMEM((V,), jnp.float32),
            pltpu.VMEM((B,), jnp.int32),
            pltpu.VMEM((_OC,), jnp.float32),
            pltpu.SemaphoreType.DMA,
        ],
    )
    def k(tab_hbm, idx_hbm, out_hbm, row_v, idx_v, oc_v, sem):
        wid = (lax.axis_index("c") * info.num_subcores + lax.axis_index("s"))
        row_cp = pltpu.async_copy(tab_hbm.at[wid], row_v, sem)
        pltpu.sync_copy(idx_hbm, idx_v)
        row_cp.wait()
        UNROLL = 16
        STEP = 16 * UNROLL

        def chunk(cc, carry):
            def body(i, c2):
                for u in range(UNROLL):
                    iv = idx_v[pl.ds(cc * _OC + i * STEP + u * 16, 16)]
                    oc_v[pl.ds(i * STEP + u * 16, 16)] = (
                        plsc.load_gather(row_v, [iv]))
                return c2
            lax.fori_loop(0, _OC // STEP, body, carry)
            pltpu.sync_copy(oc_v, out_hbm.at[wid, pl.ds(cc * _OC, _OC)])
            return carry

        lax.fori_loop(0, n_oc, chunk, 0)

    return k(table_t, idx)


def _dense_body(te_ref, cf_ref, wf_ref, bf_ref, wm1_ref, wm2_ref, bm_ref,
                g_ref, bb_ref, out_ref):
    te = te_ref[...]
    cf = cf_ref[...]
    dn = (((1,), (0,)), ((), ()))
    feat = lax.dot_general(wf_ref[...], cf, dn,
                           preferred_element_type=jnp.float32) + bf_ref[...]
    h = (lax.dot_general(wm1_ref[...], te, dn,
                         preferred_element_type=jnp.float32)
         + lax.dot_general(wm2_ref[...], feat, dn,
                           preferred_element_type=jnp.float32)
         + bm_ref[...])
    mu = jnp.mean(h, axis=0, keepdims=True)
    d = h - mu
    var = jnp.mean(d * d, axis=0, keepdims=True)
    hn = d * lax.rsqrt(var + 1e-5) * g_ref[...] + bb_ref[...]
    out_ref[...] = jnp.maximum(hn, 0.0)


def _dense_tc(te_t, cf_t, W_feat, b_feat, W_merge, b_merge, ln_gamma,
              ln_beta):
    RC = 4096
    grid = (B // RC,)
    col_spec = lambda h: pl.BlockSpec((h, RC), lambda i: (0, i))
    rep = lambda shape: pl.BlockSpec(shape, lambda i: (0, 0))
    return pl.pallas_call(
        _dense_body,
        grid=grid,
        in_specs=[
            col_spec(D),
            col_spec(FEAT),
            rep((D, FEAT)),
            rep((D, 1)),
            rep((H, D)),
            rep((H, D)),
            rep((H, 1)),
            rep((H, 1)),
            rep((H, 1)),
        ],
        out_specs=col_spec(H),
        out_shape=jax.ShapeDtypeStruct((H, B), jnp.float32),
    )(te_t, cf_t, W_feat, b_feat.reshape(D, 1),
      W_merge[:, :D], W_merge[:, D:], b_merge.reshape(H, 1),
      ln_gamma.reshape(H, 1), ln_beta.reshape(H, 1))


def kernel(cell_types, cell_features, embed_table, W_feat, b_feat, W_merge,
           b_merge, ln_gamma, ln_beta):
    te_t = _gather_sc(embed_table.T, cell_types.astype(jnp.int32))
    h_t = _dense_tc(te_t, cell_features.T, W_feat, b_feat, W_merge,
                    b_merge, ln_gamma, ln_beta)
    return h_t.T

# --- scband reference (transcript-rebuilt; emitter-appended) ---
"""Pipeline reference for scband-cell-encoder-38611755991309 (READ-ONLY COPY).

The authoritative reference and input builder live on the scoring server;
editing this copy changes nothing except your own understanding.
"""

import jax, jax.numpy as jnp
import numpy as np

B = 16384
V = 100000
FEAT = 16
H = 64


def setup_inputs(seed: int = 0) -> dict:
    key = jax.random.key(seed)
    ks = jax.random.split(key, 8)
    cell_types = jax.random.randint(ks[0], (B,), 0, V)
    cell_features = jax.random.normal(ks[1], (B, FEAT), dtype=jnp.float32)
    # learned parameters
    embed_table = jax.random.normal(ks[2], (V, H // 2), dtype=jnp.float32) * 0.02
    W_feat = jax.random.normal(ks[3], (H // 2, FEAT), dtype=jnp.float32) * (1.0 / np.sqrt(FEAT))
    b_feat = jnp.zeros((H // 2,), jnp.float32)
    W_merge = jax.random.normal(ks[4], (H, H), dtype=jnp.float32) * (1.0 / np.sqrt(H))
    b_merge = jnp.zeros((H,), jnp.float32)
    ln_gamma = jnp.ones((H,), jnp.float32)
    ln_beta = jnp.zeros((H,), jnp.float32)
    return {
        "cell_types": cell_types,
        "cell_features": cell_features,
        "embed_table": embed_table,
        "W_feat": W_feat,
        "b_feat": b_feat,
        "W_merge": W_merge,
        "b_merge": b_merge,
        "ln_gamma": ln_gamma,
        "ln_beta": ln_beta,
    }


def reference(cell_types, cell_features, embed_table, W_feat, b_feat, W_merge, b_merge, ln_gamma, ln_beta):
    # nn.Embedding lookup (gather)
    type_emb = jnp.take(embed_table, cell_types, axis=0)
    # nn.Linear: x @ W.T + b
    feat_emb = cell_features @ W_feat.T + b_feat
    merged = jnp.concatenate([type_emb, feat_emb], axis=-1)
    # merge: Linear -> LayerNorm -> ReLU -> Dropout(eval: identity)
    h = merged @ W_merge.T + b_merge
    mu = jnp.mean(h, axis=-1, keepdims=True)
    var = jnp.var(h, axis=-1, keepdims=True)
    hn = (h - mu) / jnp.sqrt(var + 1e-5) * ln_gamma + ln_beta
    out = jnp.maximum(hn, 0.0)
    return out

if __name__ == "__main__":
    import jax
    _d = setup_inputs()
    print(jax.jit(kernel)(*tuple(_d.values())))

</pallas_src>

<mosaic_0001>
#map = affine_map<(d0, d1) -> (0, 0)>
#map1 = affine_map<(d0, d1) -> (0)>
module attributes {stable_mosaic.version = 14 : i64} {
  func.func @k(%arg0: i32, %arg1: i32, %arg2: memref<32x100000xf32, #tpu.memory_space<hbm>>, %arg3: memref<16384xi32, #tpu.memory_space<hbm>>, %arg4: memref<32x16384xf32, #tpu.memory_space<hbm>>, %arg5: memref<100000xf32, #tpu.memory_space<vmem>>, %arg6: memref<16384xi32, #tpu.memory_space<vmem>>, %arg7: memref<8192xf32, #tpu.memory_space<vmem>>, %arg8: memref<!tpu.dma_semaphore, #tpu.memory_space<semaphore_mem>>) attributes {dimension_semantics = [#tpu.dimension_semantics<core_parallel>, #tpu.dimension_semantics<subcore_parallel>], iteration_bounds = array<i64: 2, 16>, scalar_prefetch = 0 : i64, scratch_operands = 4 : i64, tpu.core_type = #tpu.core_type<sc_vector_subcore>, window_params = [{transform_indices = #map}, {transform_indices = #map1}, {transform_indices = #map}]} {
    %mul3A = arith.constant 16 : i32
    %mul3A_0 = arith.muli %arg0, %mul3A : i32
    %add3A = arith.addi %mul3A_0, %arg1 : i32
    %dma_start3A = arith.constant 0 : i32
    %dma_start3A_1 = tpu.memref_slice %arg2[%add3A, %dma_start3A] : memref<32x100000xf32, #tpu.memory_space<hbm>> -> memref<1x100000xf32, #tpu.memory_space<hbm>>
    %dma_start3A_2 = tpu.memref_squeeze %dma_start3A_1 : memref<1x100000xf32, #tpu.memory_space<hbm>> -> memref<100000xf32, #tpu.memory_space<hbm>>
    %dma_start3A_3 = arith.constant 0 : i32
    %dma_start3A_4 = tpu.memref_slice %arg2[%add3A, %dma_start3A_3] : memref<32x100000xf32, #tpu.memory_space<hbm>> -> memref<1x100000xf32, #tpu.memory_space<hbm>>
    %dma_start3A_5 = tpu.memref_squeeze %dma_start3A_4 : memref<1x100000xf32, #tpu.memory_space<hbm>> -> memref<100000xf32, #tpu.memory_space<hbm>>
    tpu.enqueue_dma source(%dma_start3A_5 : memref<100000xf32, #tpu.memory_space<hbm>>) target(%arg5 : memref<100000xf32, #tpu.memory_space<vmem>>) target_semaphore(%arg8 : memref<!tpu.dma_semaphore, #tpu.memory_space<semaphore_mem>>)
    "tpu.region"() ({
      %run_scoped3A = tpu.sem_alloc : memref<!tpu.dma_semaphore, #tpu.memory_space<semaphore_mem>>
      tpu.enqueue_dma source(%arg3 : memref<16384xi32, #tpu.memory_space<hbm>>) target(%arg6 : memref<16384xi32, #tpu.memory_space<vmem>>) target_semaphore(%run_scoped3A : memref<!tpu.dma_semaphore, #tpu.memory_space<semaphore_mem>>)
      tpu.wait_dma2 semaphore(%run_scoped3A : memref<!tpu.dma_semaphore, #tpu.memory_space<semaphore_mem>>) src(%arg3 : memref<16384xi32, #tpu.memory_space<hbm>>) dst(%arg6 : memref<16384xi32, #tpu.memory_space<vmem>>)
      tpu.yield
    }) : () -> ()
    %dma_wait3A = arith.constant 0 : i32
    %dma_wait3A_6 = tpu.memref_slice %arg2[%add3A, %dma_wait3A] : memref<32x100000xf32, #tpu.memory_space<hbm>> -> memref<1x100000xf32, #tpu.memory_space<hbm>>
    %dma_wait3A_7 = tpu.memref_squeeze %dma_wait3A_6 : memref<1x100000xf32, #tpu.memory_space<hbm>> -> memref<100000xf32, #tpu.memory_space<hbm>>
    %dma_wait3A_8 = arith.constant 0 : i32
    %dma_wait3A_9 = tpu.memref_slice %arg2[%add3A, %dma_wait3A_8] : memref<32x100000xf32, #tpu.memory_space<hbm>> -> memref<1x100000xf32, #tpu.memory_space<hbm>>
    %dma_wait3A_10 = tpu.memref_squeeze %dma_wait3A_9 : memref<1x100000xf32, #tpu.memory_space<hbm>> -> memref<100000xf32, #tpu.memory_space<hbm>>
    tpu.wait_dma2 semaphore(%arg8 : memref<!tpu.dma_semaphore, #tpu.memory_space<semaphore_mem>>) src(%dma_wait3A_10 : memref<100000xf32, #tpu.memory_space<hbm>>) dst(%arg5 : memref<100000xf32, #tpu.memory_space<vmem>>)
    %scan3A = arith.constant 0 : i32
    %scan3A_11 = arith.constant 0 : i32
    %scan3A_12 = arith.constant 2 : i32
    %scan3A_13 = arith.addi %scan3A_11, %scan3A_12 : i32
    %scan3A_14 = arith.constant 1 : i32
    scf.for %scan3A_16 = %scan3A_11 to %scan3A_13 step %scan3A_14  : i32 {
      %scan3A_17 = arith.constant 0 : i32
      %scan3A_18 = arith.constant 32 : i32
      %scan3A_19 = arith.addi %scan3A_17, %scan3A_18 : i32
      %scan3A_20 = arith.constant 1 : i32
      scf.for %scan3A_24 = %scan3A_17 to %scan3A_19 step %scan3A_20  : i32 {
        %mul3A_25 = arith.constant 8192 : i32
        %mul3A_26 = arith.muli %scan3A_16, %mul3A_25 : i32
        %mul3A_27 = arith.constant 256 : i32
        %mul3A_28 = arith.muli %scan3A_24, %mul3A_27 : i32
        %add3A_29 = arith.addi %mul3A_26, %mul3A_28 : i32
        %add3A_30 = arith.constant 0 : i32
        %add3A_31 = arith.addi %add3A_29, %add3A_30 : i32
        %get3A = arith.index_cast %add3A_31 : i32 to index
        %get3A_32 = tpu.vector_load %arg6[%get3A] {strides = array<i32>} : memref<16384xi32, #tpu.memory_space<vmem>>, vector<16xi32>,
        %gather3A = tpu.vector_load_idx %arg5[%get3A_32] : memref<100000xf32, #tpu.memory_space<vmem>>[vector<16xi32>], vector<16xf32>,
        %mul3A_33 = arith.constant 256 : i32
        %mul3A_34 = arith.muli %scan3A_24, %mul3A_33 : i32
        %add3A_35 = arith.constant 0 : i32
        %add3A_36 = arith.addi %mul3A_34, %add3A_35 : i32
        %swap3A = arith.index_cast %add3A_36 : i32 to index
        %swap3A_37 = tpu.vector_load %arg7[%swap3A] {strides = array<i32>} : memref<8192xf32, #tpu.memory_space<vmem>>, vector<16xf32>,
        tpu.vector_store %arg7[%swap3A], %gather3A {strides = array<i32>} : memref<8192xf32, #tpu.memory_space<vmem>>, vector<16xf32>,
        %mul3A_38 = arith.constant 8192 : i32
        %mul3A_39 = arith.muli %scan3A_16, %mul3A_38 : i32
        %mul3A_40 = arith.constant 256 : i32
        %mul3A_41 = arith.muli %scan3A_24, %mul3A_40 : i32
        %add3A_42 = arith.addi %mul3A_39, %mul3A_41 : i32
        %add3A_43 = arith.constant 16 : i32
        %add3A_44 = arith.addi %add3A_42, %add3A_43 : i32
        %get3A_45 = arith.index_cast %add3A_44 : i32 to index
        %get3A_46 = tpu.vector_load %arg6[%get3A_45] {strides = array<i32>} : memref<16384xi32, #tpu.memory_space<vmem>>, vector<16xi32>,
        %gather3A_47 = tpu.vector_load_idx %arg5[%get3A_46] : memref<100000xf32, #tpu.memory_space<vmem>>[vector<16xi32>], vector<16xf32>,
        %mul3A_48 = arith.constant 256 : i32
        %mul3A_49 = arith.muli %scan3A_24, %mul3A_48 : i32
        %add3A_50 = arith.constant 16 : i32
        %add3A_51 = arith.addi %mul3A_49, %add3A_50 : i32
        %swap3A_52 = arith.index_cast %add3A_51 : i32 to index
        %swap3A_53 = tpu.vector_load %arg7[%swap3A_52] {strides = array<i32>} : memref<8192xf32, #tpu.memory_space<vmem>>, vector<16xf32>,
        tpu.vector_store %arg7[%swap3A_52], %gather3A_47 {strides = array<i32>} : memref<8192xf32, #tpu.memory_space<vmem>>, vector<16xf32>,
        %mul3A_54 = arith.constant 8192 : i32
        %mul3A_55 = arith.muli %scan3A_16, %mul3A_54 : i32
        %mul3A_56 = arith.constant 256 : i32
        %mul3A_57 = arith.muli %scan3A_24, %mul3A_56 : i32
        %add3A_58 = arith.addi %mul3A_55, %mul3A_57 : i32
        %add3A_59 = arith.constant 32 : i32
        %add3A_60 = arith.addi %add3A_58, %add3A_59 : i32
        %get3A_61 = arith.index_cast %add3A_60 : i32 to index
        %get3A_62 = tpu.vector_load %arg6[%get3A_61] {strides = array<i32>} : memref<16384xi32, #tpu.memory_space<vmem>>, vector<16xi32>,
        %gather3A_63 = tpu.vector_load_idx %arg5[%get3A_62] : memref<100000xf32, #tpu.memory_space<vmem>>[vector<16xi32>], vector<16xf32>,
        %mul3A_64 = arith.constant 256 : i32
        %mul3A_65 = arith.muli %scan3A_24, %mul3A_64 : i32
        %add3A_66 = arith.constant 32 : i32
        %add3A_67 = arith.addi %mul3A_65, %add3A_66 : i32
        %swap3A_68 = arith.index_cast %add3A_67 : i32 to index
        %swap3A_69 = tpu.vector_load %arg7[%swap3A_68] {strides = array<i32>} : memref<8192xf32, #tpu.memory_space<vmem>>, vector<16xf32>,
        tpu.vector_store %arg7[%swap3A_68], %gather3A_63 {strides = array<i32>} : memref<8192xf32, #tpu.memory_space<vmem>>, vector<16xf32>,
        %mul3A_70 = arith.constant 8192 : i32
        %mul3A_71 = arith.muli %scan3A_16, %mul3A_70 : i32
        %mul3A_72 = arith.constant 256 : i32
        %mul3A_73 = arith.muli %scan3A_24, %mul3A_72 : i32
        %add3A_74 = arith.addi %mul3A_71, %mul3A_73 : i32
        %add3A_75 = arith.constant 48 : i32
        %add3A_76 = arith.addi %add3A_74, %add3A_75 : i32
        %get3A_77 = arith.index_cast %add3A_76 : i32 to index
        %get3A_78 = tpu.vector_load %arg6[%get3A_77] {strides = array<i32>} : memref<16384xi32, #tpu.memory_space<vmem>>, vector<16xi32>,
        %gather3A_79 = tpu.vector_load_idx %arg5[%get3A_78] : memref<100000xf32, #tpu.memory_space<vmem>>[vector<16xi32>], vector<16xf32>,
        %mul3A_80 = arith.constant 256 : i32
        %mul3A_81 = arith.muli %scan3A_24, %mul3A_80 : i32
        %add3A_82 = arith.constant 48 : i32
        %add3A_83 = arith.addi %mul3A_81, %add3A_82 : i32
        %swap3A_84 = arith.index_cast %add3A_83 : i32 to index
        %swap3A_85 = tpu.vector_load %arg7[%swap3A_84] {strides = array<i32>} : memref<8192xf32, #tpu.memory_space<vmem>>, vector<16xf32>,
        tpu.vector_store %arg7[%swap3A_84], %gather3A_79 {strides = array<i32>} : memref<8192xf32, #tpu.memory_space<vmem>>, vector<16xf32>,
        %mul3A_86 = arith.constant 8192 : i32
        %mul3A_87 = arith.muli %scan3A_16, %mul3A_86 : i32
        %mul3A_88 = arith.constant 256 : i32
        %mul3A_89 = arith.muli %scan3A_24, %mul3A_88 : i32
        %add3A_90 = arith.addi %mul3A_87, %mul3A_89 : i32
        %add3A_91 = arith.constant 64 : i32
        %add3A_92 = arith.addi %add3A_90, %add3A_91 : i32
        %get3A_93 = arith.index_cast %add3A_92 : i32 to index
        %get3A_94 = tpu.vector_load %arg6[%get3A_93] {strides = array<i32>} : memref<16384xi32, #tpu.memory_space<vmem>>, vector<16xi32>,
        %gather3A_95 = tpu.vector_load_idx %arg5[%get3A_94] : memref<100000xf32, #tpu.memory_space<vmem>>[vector<16xi32>], vector<16xf32>,
        %mul3A_96 = arith.constant 256 : i32
        %mul3A_97 = arith.muli %scan3A_24, %mul3A_96 : i32
        %add3A_98 = arith.constant 64 : i32
        %add3A_99 = arith.addi %mul3A_97, %add3A_98 : i32
        %swap3A_100 = arith.index_cast %add3A_99 : i32 to index
        %swap3A_101 = tpu.vector_load %arg7[%swap3A_100] {strides = array<i32>} : memref<8192xf32, #tpu.memory_space<vmem>>, vector<16xf32>,
        tpu.vector_store %arg7[%swap3A_100], %gather3A_95 {strides = array<i32>} : memref<8192xf32, #tpu.memory_space<vmem>>, vector<16xf32>,
        %mul3A_102 = arith.constant 8192 : i32
        %mul3A_103 = arith.muli %scan3A_16, %mul3A_102 : i32
        %mul3A_104 = arith.constant 256 : i32
        %mul3A_105 = arith.muli %scan3A_24, %mul3A_104 : i32
        %add3A_106 = arith.addi %mul3A_103, %mul3A_105 : i32
        %add3A_107 = arith.constant 80 : i32
        %add3A_108 = arith.addi %add3A_106, %add3A_107 : i32
        %get3A_109 = arith.index_cast %add3A_108 : i32 to index
        %get3A_110 = tpu.vector_load %arg6[%get3A_109] {strides = array<i32>} : memref<16384xi32, #tpu.memory_space<vmem>>, vector<16xi32>,
        %gather3A_111 = tpu.vector_load_idx %arg5[%get3A_110] : memref<100000xf32, #tpu.memory_space<vmem>>[vector<16xi32>], vector<16xf32>,
        %mul3A_112 = arith.constant 256 : i32
        %mul3A_113 = arith.muli %scan3A_24, %mul3A_112 : i32
        %add3A_114 = arith.constant 80 : i32
        %add3A_115 = arith.addi %mul3A_113, %add3A_114 : i32
        %swap3A_116 = arith.index_cast %add3A_115 : i32 to index
        %swap3A_117 = tpu.vector_load %arg7[%swap3A_116] {strides = array<i32>} : memref<8192xf32, #tpu.memory_space<vmem>>, vector<16xf32>,
        tpu.vector_store %arg7[%swap3A_116], %gather3A_111 {strides = array<i32>} : memref<8192xf32, #tpu.memory_space<vmem>>, vector<16xf32>,
        %mul3A_118 = arith.constant 8192 : i32
        %mul3A_119 = arith.muli %scan3A_16, %mul3A_118 : i32
        %mul3A_120 = arith.constant 256 : i32
        %mul3A_121 = arith.muli %scan3A_24, %mul3A_120 : i32
        %add3A_122 = arith.addi %mul3A_119, %mul3A_121 : i32
        %add3A_123 = arith.constant 96 : i32
        %add3A_124 = arith.addi %add3A_122, %add3A_123 : i32
        %get3A_125 = arith.index_cast %add3A_124 : i32 to index
        %get3A_126 = tpu.vector_load %arg6[%get3A_125] {strides = array<i32>} : memref<16384xi32, #tpu.memory_space<vmem>>, vector<16xi32>,
        %gather3A_127 = tpu.vector_load_idx %arg5[%get3A_126] : memref<100000xf32, #tpu.memory_space<vmem>>[vector<16xi32>], vector<16xf32>,
        %mul3A_128 = arith.constant 256 : i32
        %mul3A_129 = arith.muli %scan3A_24, %mul3A_128 : i32
        %add3A_130 = arith.constant 96 : i32
        %add3A_131 = arith.addi %mul3A_129, %add3A_130 : i32
        %swap3A_132 = arith.index_cast %add3A_131 : i32 to index
        %swap3A_133 = tpu.vector_load %arg7[%swap3A_132] {strides = array<i32>} : memref<8192xf32, #tpu.memory_space<vmem>>, vector<16xf32>,
        tpu.vector_store %arg7[%swap3A_132], %gather3A_127 {strides = array<i32>} : memref<8192xf32, #tpu.memory_space<vmem>>, vector<16xf32>,
        %mul3A_134 = arith.constant 8192 : i32
        %mul3A_135 = arith.muli %scan3A_16, %mul3A_134 : i32
        %mul3A_136 = arith.constant 256 : i32
        %mul3A_137 = arith.muli %scan3A_24, %mul3A_136 : i32
        %add3A_138 = arith.addi %mul3A_135, %mul3A_137 : i32
        %add3A_139 = arith.constant 112 : i32
        %add3A_140 = arith.addi %add3A_138, %add3A_139 : i32
        %get3A_141 = arith.index_cast %add3A_140 : i32 to index
        %get3A_142 = tpu.vector_load %arg6[%get3A_141] {strides = array<i32>} : memref<16384xi32, #tpu.memory_space<vmem>>, vector<16xi32>,
        %gather3A_143 = tpu.vector_load_idx %arg5[%get3A_142] : memref<100000xf32, #tpu.memory_space<vmem>>[vector<16xi32>], vector<16xf32>,
        %mul3A_144 = arith.constant 256 : i32
        %mul3A_145 = arith.muli %scan3A_24, %mul3A_144 : i32
        %add3A_146 = arith.constant 112 : i32
        %add3A_147 = arith.addi %mul3A_145, %add3A_146 : i32
        %swap3A_148 = arith.index_cast %add3A_147 : i32 to index
        %swap3A_149 = tpu.vector_load %arg7[%swap3A_148] {strides = array<i32>} : memref<8192xf32, #tpu.memory_space<vmem>>, vector<16xf32>,
        tpu.vector_store %arg7[%swap3A_148], %gather3A_143 {strides = array<i32>} : memref<8192xf32, #tpu.memory_space<vmem>>, vector<16xf32>,
        %mul3A_150 = arith.constant 8192 : i32
        %mul3A_151 = arith.muli %scan3A_16, %mul3A_150 : i32
        %mul3A_152 = arith.constant 256 : i32
        %mul3A_153 = arith.muli %scan3A_24, %mul3A_152 : i32
        %add3A_154 = arith.addi %mul3A_151, %mul3A_153 : i32
        %add3A_155 = arith.constant 128 : i32
        %add3A_156 = arith.addi %add3A_154, %add3A_155 : i32
        %get3A_157 = arith.index_cast %add3A_156 : i32 to index
        %get3A_158 = tpu.vector_load %arg6[%get3A_157] {strides = array<i32>} : memref<16384xi32, #tpu.memory_space<vmem>>, vector<16xi32>,
        %gather3A_159 = tpu.vector_load_idx %arg5[%get3A_158] : memref<100000xf32, #tpu.memory_space<vmem>>[vector<16xi32>], vector<16xf32>,
        %mul3A_160 = arith.constant 256 : i32
        %mul3A_161 = arith.muli %scan3A_24, %mul3A_160 : i32
        %add3A_162 = arith.constant 128 : i32
        %add3A_163 = arith.addi %mul3A_161, %add3A_162 : i32
        %swap3A_164 = arith.index_cast %add3A_163 : i32 to index
        %swap3A_165 = tpu.vector_load %arg7[%swap3A_164] {strides = array<i32>} : memref<8192xf32, #tpu.memory_space<vmem>>, vector<16xf32>,
        tpu.vector_store %arg7[%swap3A_164], %gather3A_159 {strides = array<i32>} : memref<8192xf32, #tpu.memory_space<vmem>>, vector<16xf32>,
        %mul3A_166 = arith.constant 8192 : i32
        %mul3A_167 = arith.muli %scan3A_16, %mul3A_166 : i32
        %mul3A_168 = arith.constant 256 : i32
        %mul3A_169 = arith.muli %scan3A_24, %mul3A_168 : i32
        %add3A_170 = arith.addi %mul3A_167, %mul3A_169 : i32
        %add3A_171 = arith.constant 144 : i32
        %add3A_172 = arith.addi %add3A_170, %add3A_171 : i32
        %get3A_173 = arith.index_cast %add3A_172 : i32 to index
        %get3A_174 = tpu.vector_load %arg6[%get3A_173] {strides = array<i32>} : memref<16384xi32, #tpu.memory_space<vmem>>, vector<16xi32>,
        %gather3A_175 = tpu.vector_load_idx %arg5[%get3A_174] : memref<100000xf32, #tpu.memory_space<vmem>>[vector<16xi32>], vector<16xf32>,
        %mul3A_176 = arith.constant 256 : i32
        %mul3A_177 = arith.muli %scan3A_24, %mul3A_176 : i32
        %add3A_178 = arith.constant 144 : i32
        %add3A_179 = arith.addi %mul3A_177, %add3A_178 : i32
        %swap3A_180 = arith.index_cast %add3A_179 : i32 to index
        %swap3A_181 = tpu.vector_load %arg7[%swap3A_180] {strides = array<i32>} : memref<8192xf32, #tpu.memory_space<vmem>>, vector<16xf32>,
        tpu.vector_store %arg7[%swap3A_180], %gather3A_175 {strides = array<i32>} : memref<8192xf32, #tpu.memory_space<vmem>>, vector<16xf32>,
        %mul3A_182 = arith.constant 8192 : i32
        %mul3A_183 = arith.muli %scan3A_16, %mul3A_182 : i32
        %mul3A_184 = arith.constant 256 : i32
        %mul3A_185 = arith.muli %scan3A_24, %mul3A_184 : i32
        %add3A_186 = arith.addi %mul3A_183, %mul3A_185 : i32
        %add3A_187 = arith.constant 160 : i32
        %add3A_188 = arith.addi %add3A_186, %add3A_187 : i32
        %get3A_189 = arith.index_cast %add3A_188 : i32 to index
        %get3A_190 = tpu.vector_load %arg6[%get3A_189] {strides = array<i32>} : memref<16384xi32, #tpu.memory_space<vmem>>, vector<16xi32>,
        %gather3A_191 = tpu.vector_load_idx %arg5[%get3A_190] : memref<100000xf32, #tpu.memory_space<vmem>>[vector<16xi32>], vector<16xf32>,
        %mul3A_192 = arith.constant 256 : i32
        %mul3A_193 = arith.muli %scan3A_24, %mul3A_192 : i32
        %add3A_194 = arith.constant 160 : i32
        %add3A_195 = arith.addi %mul3A_193, %add3A_194 : i32
        %swap3A_196 = arith.index_cast %add3A_195 : i32 to index
        %swap3A_197 = tpu.vector_load %arg7[%swap3A_196] {strides = array<i32>} : memref<8192xf32, #tpu.memory_space<vmem>>, vector<16xf32>,
        tpu.vector_store %arg7[%swap3A_196], %gather3A_191 {strides = array<i32>} : memref<8192xf32, #tpu.memory_space<vmem>>, vector<16xf32>,
        %mul3A_198 = arith.constant 8192 : i32
        %mul3A_199 = arith.muli %scan3A_16, %mul3A_198 : i32
        %mul3A_200 = arith.constant 256 : i32
        %mul3A_201 = arith.muli %scan3A_24, %mul3A_200 : i32
        %add3A_202 = arith.addi %mul3A_199, %mul3A_201 : i32
        %add3A_203 = arith.constant 176 : i32
        %add3A_204 = arith.addi %add3A_202, %add3A_203 : i32
        %get3A_205 = arith.index_cast %add3A_204 : i32 to index
        %get3A_206 = tpu.vector_load %arg6[%get3A_205] {strides = array<i32>} : memref<16384xi32, #tpu.memory_space<vmem>>, vector<16xi32>,
        %gather3A_207 = tpu.vector_load_idx %arg5[%get3A_206] : memref<100000xf32, #tpu.memory_space<vmem>>[vector<16xi32>], vector<16xf32>,
        %mul3A_208 = arith.constant 256 : i32
        %mul3A_209 = arith.muli %scan3A_24, %mul3A_208 : i32
        %add3A_210 = arith.constant 176 : i32
        %add3A_211 = arith.addi %mul3A_209, %add3A_210 : i32
        %swap3A_212 = arith.index_cast %add3A_211 : i32 to index
        %swap3A_213 = tpu.vector_load %arg7[%swap3A_212] {strides = array<i32>} : memref<8192xf32, #tpu.memory_space<vmem>>, vector<16xf32>,
        tpu.vector_store %arg7[%swap3A_212], %gather3A_207 {strides = array<i32>} : memref<8192xf32, #tpu.memory_space<vmem>>, vector<16xf32>,
        %mul3A_214 = arith.constant 8192 : i32
        %mul3A_215 = arith.muli %scan3A_16, %mul3A_214 : i32
        %mul3A_216 = arith.constant 256 : i32
        %mul3A_217 = arith.muli %scan3A_24, %mul3A_216 : i32
        %add3A_218 = arith.addi %mul3A_215, %mul3A_217 : i32
        %add3A_219 = arith.constant 192 : i32
        %add3A_220 = arith.addi %add3A_218, %add3A_219 : i32
        %get3A_221 = arith.index_cast %add3A_220 : i32 to index
        %get3A_222 = tpu.vector_load %arg6[%get3A_221] {strides = array<i32>} : memref<16384xi32, #tpu.memory_space<vmem>>, vector<16xi32>,
        %gather3A_223 = tpu.vector_load_idx %arg5[%get3A_222] : memref<100000xf32, #tpu.memory_space<vmem>>[vector<16xi32>], vector<16xf32>,
        %mul3A_224 = arith.constant 256 : i32
        %mul3A_225 = arith.muli %scan3A_24, %mul3A_224 : i32
        %add3A_226 = arith.constant 192 : i32
        %add3A_227 = arith.addi %mul3A_225, %add3A_226 : i32
        %swap3A_228 = arith.index_cast %add3A_227 : i32 to index
        %swap3A_229 = tpu.vector_load %arg7[%swap3A_228] {strides = array<i32>} : memref<8192xf32, #tpu.memory_space<vmem>>, vector<16xf32>,
        tpu.vector_store %arg7[%swap3A_228], %gather3A_223 {strides = array<i32>} : memref<8192xf32, #tpu.memory_space<vmem>>, vector<16xf32>,
        %mul3A_230 = arith.constant 8192 : i32
        %mul3A_231 = arith.muli %scan3A_16, %mul3A_230 : i32
        %mul3A_232 = arith.constant 256 : i32
        %mul3A_233 = arith.muli %scan3A_24, %mul3A_232 : i32
        %add3A_234 = arith.addi %mul3A_231, %mul3A_233 : i32
        %add3A_235 = arith.constant 208 : i32
        %add3A_236 = arith.addi %add3A_234, %add3A_235 : i32
        %get3A_237 = arith.index_cast %add3A_236 : i32 to index
        %get3A_238 = tpu.vector_load %arg6[%get3A_237] {strides = array<i32>} : memref<16384xi32, #tpu.memory_space<vmem>>, vector<16xi32>,
        %gather3A_239 = tpu.vector_load_idx %arg5[%get3A_238] : memref<100000xf32, #tpu.memory_space<vmem>>[vector<16xi32>], vector<16xf32>,
        %mul3A_240 = arith.constant 256 : i32
        %mul3A_241 = arith.muli %scan3A_24, %mul3A_240 : i32
        %add3A_242 = arith.constant 208 : i32
        %add3A_243 = arith.addi %mul3A_241, %add3A_242 : i32
        %swap3A_244 = arith.index_cast %add3A_243 : i32 to index
        %swap3A_245 = tpu.vector_load %arg7[%swap3A_244] {strides = array<i32>} : memref<8192xf32, #tpu.memory_space<vmem>>, vector<16xf32>,
        tpu.vector_store %arg7[%swap3A_244], %gather3A_239 {strides = array<i32>} : memref<8192xf32, #tpu.memory_space<vmem>>, vector<16xf32>,
        %mul3A_246 = arith.constant 8192 : i32
        %mul3A_247 = arith.muli %scan3A_16, %mul3A_246 : i32
        %mul3A_248 = arith.constant 256 : i32
        %mul3A_249 = arith.muli %scan3A_24, %mul3A_248 : i32
        %add3A_250 = arith.addi %mul3A_247, %mul3A_249 : i32
        %add3A_251 = arith.constant 224 : i32
        %add3A_252 = arith.addi %add3A_250, %add3A_251 : i32
        %get3A_253 = arith.index_cast %add3A_252 : i32 to index
        %get3A_254 = tpu.vector_load %arg6[%get3A_253] {strides = array<i32>} : memref<16384xi32, #tpu.memory_space<vmem>>, vector<16xi32>,
        %gather3A_255 = tpu.vector_load_idx %arg5[%get3A_254] : memref<100000xf32, #tpu.memory_space<vmem>>[vector<16xi32>], vector<16xf32>,
        %mul3A_256 = arith.constant 256 : i32
        %mul3A_257 = arith.muli %scan3A_24, %mul3A_256 : i32
        %add3A_258 = arith.constant 224 : i32
        %add3A_259 = arith.addi %mul3A_257, %add3A_258 : i32
        %swap3A_260 = arith.index_cast %add3A_259 : i32 to index
        %swap3A_261 = tpu.vector_load %arg7[%swap3A_260] {strides = array<i32>} : memref<8192xf32, #tpu.memory_space<vmem>>, vector<16xf32>,
        tpu.vector_store %arg7[%swap3A_260], %gather3A_255 {strides = array<i32>} : memref<8192xf32, #tpu.memory_space<vmem>>, vector<16xf32>,
        %mul3A_262 = arith.constant 8192 : i32
        %mul3A_263 = arith.muli %scan3A_16, %mul3A_262 : i32
        %mul3A_264 = arith.constant 256 : i32
        %mul3A_265 = arith.muli %scan3A_24, %mul3A_264 : i32
        %add3A_266 = arith.addi %mul3A_263, %mul3A_265 : i32
        %add3A_267 = arith.constant 240 : i32
        %add3A_268 = arith.addi %add3A_266, %add3A_267 : i32
        %get3A_269 = arith.index_cast %add3A_268 : i32 to index
        %get3A_270 = tpu.vector_load %arg6[%get3A_269] {strides = array<i32>} : memref<16384xi32, #tpu.memory_space<vmem>>, vector<16xi32>,
        %gather3A_271 = tpu.vector_load_idx %arg5[%get3A_270] : memref<100000xf32, #tpu.memory_space<vmem>>[vector<16xi32>], vector<16xf32>,
        %mul3A_272 = arith.constant 256 : i32
        %mul3A_273 = arith.muli %scan3A_24, %mul3A_272 : i32
        %add3A_274 = arith.constant 240 : i32
        %add3A_275 = arith.addi %mul3A_273, %add3A_274 : i32
        %swap3A_276 = arith.index_cast %add3A_275 : i32 to index
        %swap3A_277 = tpu.vector_load %arg7[%swap3A_276] {strides = array<i32>} : memref<8192xf32, #tpu.memory_space<vmem>>, vector<16xf32>,
        tpu.vector_store %arg7[%swap3A_276], %gather3A_271 {strides = array<i32>} : memref<8192xf32, #tpu.memory_space<vmem>>, vector<16xf32>,
      }
      %scan3A_21 = arith.constant 32 : i32
      %mul3A_22 = arith.constant 8192 : i32
      %mul3A_23 = arith.muli %scan3A_16, %mul3A_22 : i32
      "tpu.region"() ({
        %run_scoped3A = tpu.sem_alloc : memref<!tpu.dma_semaphore, #tpu.memory_space<semaphore_mem>>
        %dma_start3A_24 = tpu.memref_slice %arg4[%add3A, %mul3A_23] : memref<32x16384xf32, #tpu.memory_space<hbm>> -> memref<1x8192xf32, #tpu.memory_space<hbm>>
        %dma_start3A_25 = tpu.memref_squeeze %dma_start3A_24 : memref<1x8192xf32, #tpu.memory_space<hbm>> -> memref<8192xf32, #tpu.memory_space<hbm>>
        %dma_start3A_26 = tpu.memref_slice %arg4[%add3A, %mul3A_23] : memref<32x16384xf32, #tpu.memory_space<hbm>> -> memref<1x8192xf32, #tpu.memory_space<hbm>>
        %dma_start3A_27 = tpu.memref_squeeze %dma_start3A_26 : memref<1x8192xf32, #tpu.memory_space<hbm>> -> memref<8192xf32, #tpu.memory_space<hbm>>
        tpu.enqueue_dma source(%arg7 : memref<8192xf32, #tpu.memory_space<vmem>>) target(%dma_start3A_27 : memref<8192xf32, #tpu.memory_space<hbm>>) target_semaphore(%run_scoped3A : memref<!tpu.dma_semaphore, #tpu.memory_space<semaphore_mem>>)
        %dma_wait3A_28 = tpu.memref_slice %arg4[%add3A, %mul3A_23] : memref<32x16384xf32, #tpu.memory_space<hbm>> -> memref<1x8192xf32, #tpu.memory_space<hbm>>
        %dma_wait3A_29 = tpu.memref_squeeze %dma_wait3A_28 : memref<1x8192xf32, #tpu.memory_space<hbm>> -> memref<8192xf32, #tpu.memory_space<hbm>>
        %dma_wait3A_30 = tpu.memref_slice %arg4[%add3A, %mul3A_23] : memref<32x16384xf32, #tpu.memory_space<hbm>> -> memref<1x8192xf32, #tpu.memory_space<hbm>>
        %dma_wait3A_31 = tpu.memref_squeeze %dma_wait3A_30 : memref<1x8192xf32, #tpu.memory_space<hbm>> -> memref<8192xf32, #tpu.memory_space<hbm>>
        tpu.wait_dma2 semaphore(%run_scoped3A : memref<!tpu.dma_semaphore, #tpu.memory_space<semaphore_mem>>) src(%arg7 : memref<8192xf32, #tpu.memory_space<vmem>>) dst(%dma_wait3A_31 : memref<8192xf32, #tpu.memory_space<hbm>>)
        tpu.yield
      }) : () -> ()
    }
    %scan3A_15 = arith.constant 2 : i32
    return
  }
}

module attributes {stable_mosaic.version = 14 : i64} {
  func.func @_dense_body(%arg0: i32, %arg1: memref<32x4096xf32, #tpu.memory_space<vmem>>, %arg2: memref<16x4096xf32, #tpu.memory_space<vmem>>, %arg3: memref<32x16xf32, #tpu.memory_space<vmem>>, %arg4: memref<32x1xf32, #tpu.memory_space<vmem>>, %arg5: memref<64x32xf32, #tpu.memory_space<vmem>>, %arg6: memref<64x32xf32, #tpu.memory_space<vmem>>, %arg7: memref<64x1xf32, #tpu.memory_space<vmem>>, %arg8: memref<64x1xf32, #tpu.memory_space<vmem>>, %arg9: memref<64x1xf32, #tpu.memory_space<vmem>>, %arg10: memref<64x4096xf32, #tpu.memory_space<vmem>>) attributes {dimension_semantics = [#tpu.dimension_semantics<arbitrary>], iteration_bounds = array<i64: 4>, scalar_prefetch = 0 : i64, scratch_operands = 0 : i64, tpu.core_type = #tpu.core_type<tc>, window_params = [{transform_indices = @transform_0, window_bounds = array<i64: 32, 4096>}, {transform_indices = @transform_1, window_bounds = array<i64: 16, 4096>}, {pipeline_mode = #tpu.pipeline_mode<synchronous>, transform_indices = @transform_2, window_bounds = array<i64: 32, 16>}, {pipeline_mode = #tpu.pipeline_mode<synchronous>, transform_indices = @transform_3, window_bounds = array<i64: 32, 1>}, {pipeline_mode = #tpu.pipeline_mode<synchronous>, transform_indices = @transform_4, window_bounds = array<i64: 64, 32>}, {pipeline_mode = #tpu.pipeline_mode<synchronous>, transform_indices = @transform_5, window_bounds = array<i64: 64, 32>}, {pipeline_mode = #tpu.pipeline_mode<synchronous>, transform_indices = @transform_6, window_bounds = array<i64: 64, 1>}, {pipeline_mode = #tpu.pipeline_mode<synchronous>, transform_indices = @transform_7, window_bounds = array<i64: 64, 1>}, {pipeline_mode = #tpu.pipeline_mode<synchronous>, transform_indices = @transform_8, window_bounds = array<i64: 64, 1>}, {transform_indices = @transform_9, window_bounds = array<i64: 64, 4096>}]} {
    %get3A = arith.constant 0 : index
    %get3A_0 = arith.constant 0 : index
    %get3A_1 = vector.load %arg1[%get3A, %get3A_0] : memref<32x4096xf32, #tpu.memory_space<vmem>>, vector<32x4096xf32>
    %get3A_2 = arith.constant 0 : index
    %get3A_3 = arith.constant 0 : index
    %get3A_4 = vector.load %arg2[%get3A_2, %get3A_3] : memref<16x4096xf32, #tpu.memory_space<vmem>>, vector<16x4096xf32>
    %get3A_5 = arith.constant 0 : index
    %get3A_6 = arith.constant 0 : index
    %get3A_7 = vector.load %arg3[%get3A_5, %get3A_6] : memref<32x16xf32, #tpu.memory_space<vmem>>, vector<32x16xf32>
    %dot_general3A = arith.constant dense<0.000000e+00> : vector<32x4096xf32>
    %dot_general3A_8 = tpu.matmul %get3A_7, %get3A_4, %dot_general3A {dimension_numbers = #tpu.dot_dimension_numbers<[1], [0], [0], [1], [0, 0, 1, 1], [], []>, transpose_lhs_hint = false} : vector<32x16xf32>, vector<16x4096xf32>, vector<32x4096xf32> -> vector<32x4096xf32>
    %get3A_9 = arith.constant 0 : index
    %get3A_10 = arith.constant 0 : index
    %get3A_11 = vector.load %arg4[%get3A_9, %get3A_10] : memref<32x1xf32, #tpu.memory_space<vmem>>, vector<32x1xf32>
    %add3A = vector.broadcast %get3A_11 : vector<32x1xf32> to vector<32x4096xf32>
    %add3A_12 = arith.addf %dot_general3A_8, %add3A : vector<32x4096xf32>
    %get3A_13 = arith.constant 0 : index
    %get3A_14 = arith.constant 0 : index
    %get3A_15 = vector.load %arg5[%get3A_13, %get3A_14] : memref<64x32xf32, #tpu.memory_space<vmem>>, vector<64x32xf32>
    %dot_general3A_16 = arith.constant dense<0.000000e+00> : vector<64x4096xf32>
    %dot_general3A_17 = tpu.matmul %get3A_15, %get3A_1, %dot_general3A_16 {dimension_numbers = #tpu.dot_dimension_numbers<[1], [0], [0], [1], [0, 0, 1, 1], [], []>, transpose_lhs_hint = false} : vector<64x32xf32>, vector<32x4096xf32>, vector<64x4096xf32> -> vector<64x4096xf32>
    %get3A_18 = arith.constant 0 : index
    %get3A_19 = arith.constant 0 : index
    %get3A_20 = vector.load %arg6[%get3A_18, %get3A_19] : memref<64x32xf32, #tpu.memory_space<vmem>>, vector<64x32xf32>
    %dot_general3A_21 = arith.constant dense<0.000000e+00> : vector<64x4096xf32>
    %dot_general3A_22 = tpu.matmul %get3A_20, %add3A_12, %dot_general3A_21 {dimension_numbers = #tpu.dot_dimension_numbers<[1], [0], [0], [1], [0, 0, 1, 1], [], []>, transpose_lhs_hint = false} : vector<64x32xf32>, vector<32x4096xf32>, vector<64x4096xf32> -> vector<64x4096xf32>
    %add3A_23 = arith.addf %dot_general3A_17, %dot_general3A_22 : vector<64x4096xf32>
    %get3A_24 = arith.constant 0 : index
    %get3A_25 = arith.constant 0 : index
    %get3A_26 = vector.load %arg7[%get3A_24, %get3A_25] : memref<64x1xf32, #tpu.memory_space<vmem>>, vector<64x1xf32>
    %add3A_27 = vector.broadcast %get3A_26 : vector<64x1xf32> to vector<64x4096xf32>
    %add3A_28 = arith.addf %add3A_23, %add3A_27 : vector<64x4096xf32>
    %reduce_sum3A = arith.constant dense<0.000000e+00> : vector<4096xf32>
    %reduce_sum3A_29 = vector.multi_reduction <add>, %add3A_28, %reduce_sum3A [0] : vector<64x4096xf32> to vector<4096xf32>
    %broadcast_in_dim3A = vector.shape_cast %reduce_sum3A_29 : vector<4096xf32> to vector<1x4096xf32>
    %div3A = arith.constant 6.400000e+01 : f32
    %div3A_30 = vector.broadcast %div3A : f32 to vector<1x4096xf32>
    %div3A_31 = arith.divf %broadcast_in_dim3A, %div3A_30 : vector<1x4096xf32>
    %sub3A = vector.broadcast %div3A_31 : vector<1x4096xf32> to vector<64x4096xf32>
    %sub3A_32 = arith.subf %add3A_28, %sub3A : vector<64x4096xf32>
    %mul3A = arith.mulf %sub3A_32, %sub3A_32 : vector<64x4096xf32>
    %reduce_sum3A_33 = arith.constant dense<0.000000e+00> : vector<4096xf32>
    %reduce_sum3A_34 = vector.multi_reduction <add>, %mul3A, %reduce_sum3A_33 [0] : vector<64x4096xf32> to vector<4096xf32>
    %broadcast_in_dim3A_35 = vector.shape_cast %reduce_sum3A_34 : vector<4096xf32> to vector<1x4096xf32>
    %div3A_36 = arith.constant 6.400000e+01 : f32
    %div3A_37 = vector.broadcast %div3A_36 : f32 to vector<1x4096xf32>
    %div3A_38 = arith.divf %broadcast_in_dim3A_35, %div3A_37 : vector<1x4096xf32>
    %add3A_39 = arith.constant 9.99999974E-6 : f32
    %add3A_40 = vector.broadcast %add3A_39 : f32 to vector<1x4096xf32>
    %add3A_41 = arith.addf %div3A_38, %add3A_40 : vector<1x4096xf32>
    %rsqrt3A = math.rsqrt %add3A_41 : vector<1x4096xf32>
    %mul3A_42 = vector.broadcast %rsqrt3A : vector<1x4096xf32> to vector<64x4096xf32>
    %mul3A_43 = arith.mulf %sub3A_32, %mul3A_42 : vector<64x4096xf32>
    %get3A_44 = arith.constant 0 : index
    %get3A_45 = arith.constant 0 : index
    %get3A_46 = vector.load %arg8[%get3A_44, %get3A_45] : memref<64x1xf32, #tpu.memory_space<vmem>>, vector<64x1xf32>
    %mul3A_47 = vector.broadcast %get3A_46 : vector<64x1xf32> to vector<64x4096xf32>
    %mul3A_48 = arith.mulf %mul3A_43, %mul3A_47 : vector<64x4096xf32>
    %get3A_49 = arith.constant 0 : index
    %get3A_50 = arith.constant 0 : index
    %get3A_51 = vector.load %arg9[%get3A_49, %get3A_50] : memref<64x1xf32, #tpu.memory_space<vmem>>, vector<64x1xf32>
    %add3A_52 = vector.broadcast %get3A_51 : vector<64x1xf32> to vector<64x4096xf32>
    %add3A_53 = arith.addf %mul3A_48, %add3A_52 : vector<64x4096xf32>
    %max3A = arith.constant 0.000000e+00 : f32
    %max3A_54 = vector.broadcast %max3A : f32 to vector<64x4096xf32>
    %max3A_55 = arith.maximumf %add3A_53, %max3A_54 : vector<64x4096xf32>
    %swap3A = arith.constant 0 : index
    %swap3A_56 = arith.constant 0 : index
    %swap3A_57 = vector.load %arg10[%swap3A, %swap3A_56] : memref<64x4096xf32, #tpu.memory_space<vmem>>, vector<64x4096xf32>
    tpu.vector_store %arg10[%swap3A, %swap3A_56], %max3A_55 {strides = array<i32>} : memref<64x4096xf32, #tpu.memory_space<vmem>>, vector<64x4096xf32>,
    return
  }
  func.func @transform_0(%arg0: i32) -> (i32, i32) {
    %c0_i32 = arith.constant 0 : i32
    %c0_i32_0 = arith.constant 0 : i32
    return %c0_i32, %arg0 : i32, i32
  }
  func.func @transform_1(%arg0: i32) -> (i32, i32) {
    %c0_i32 = arith.constant 0 : i32
    %c0_i32_0 = arith.constant 0 : i32
    return %c0_i32, %arg0 : i32, i32
  }
  func.func @transform_2(%arg0: i32) -> (i32, i32) {
    %c0_i32 = arith.constant 0 : i32
    %c0_i32_0 = arith.constant 0 : i32
    %c0_i32_1 = arith.constant 0 : i32
    return %c0_i32, %c0_i32_0 : i32, i32
  }
  func.func @transform_3(%arg0: i32) -> (i32, i32) {
    %c0_i32 = arith.constant 0 : i32
    %c0_i32_0 = arith.constant 0 : i32
    %c0_i32_1 = arith.constant 0 : i32
    return %c0_i32, %c0_i32_0 : i32, i32
  }
  func.func @transform_4(%arg0: i32) -> (i32, i32) {
    %c0_i32 = arith.constant 0 : i32
    %c0_i32_0 = arith.constant 0 : i32
    %c0_i32_1 = arith.constant 0 : i32
    return %c0_i32, %c0_i32_0 : i32, i32
  }
  func.func @transform_5(%arg0: i32) -> (i32, i32) {
    %c0_i32 = arith.constant 0 : i32
    %c0_i32_0 = arith.constant 0 : i32
    %c0_i32_1 = arith.constant 0 : i32
    return %c0_i32, %c0_i32_0 : i32, i32
  }
  func.func @transform_6(%arg0: i32) -> (i32, i32) {
    %c0_i32 = arith.constant 0 : i32
    %c0_i32_0 = arith.constant 0 : i32
    %c0_i32_1 = arith.constant 0 : i32
    return %c0_i32, %c0_i32_0 : i32, i32
  }
  func.func @transform_7(%arg0: i32) -> (i32, i32) {
    %c0_i32 = arith.constant 0 : i32
    %c0_i32_0 = arith.constant 0 : i32
    %c0_i32_1 = arith.constant 0 : i32
    return %c0_i32, %c0_i32_0 : i32, i32
  }
  func.func @transform_8(%arg0: i32) -> (i32, i32) {
    %c0_i32 = arith.constant 0 : i32
    %c0_i32_0 = arith.constant 0 : i32
    %c0_i32_1 = arith.constant 0 : i32
    return %c0_i32, %c0_i32_0 : i32, i32
  }
  func.func @transform_9(%arg0: i32) -> (i32, i32) {
    %c0_i32 = arith.constant 0 : i32
    %c0_i32_0 = arith.constant 0 : i32
    return %c0_i32, %arg0 : i32, i32
  }
}

</mosaic_0001>

<sc_bundles>
// kernel: kernel.4.cloned.1.call-start
scs
__scs_entry_jumppad:
0x0: {  	(pc) =	sbr.rel $0x88, $3  }
0x1: {  	(tag) =	ssettag $0x0;
	lr =	simm.s32 $0x1  }
0x2: {  	[smem:$0x3F98] =	sst lr;
	_ =	strace $0xD0000000  }
0x3: {  	_ = 	snop  }
0x4: {  	_ = 	snop  }
0x5: {  	_ = 	snop  }
0x6: {  	_ = 	snop  }
0x7: {  	_ = 	snop  }
__scs_overlays_trampoline_lowered:
0x8: {  	[smem:$0x3FA7] =	sst s0  }
0x9: {  	[smem:$0x3FA8] =	sst s1  }
0xa: {  	[smem:$0x3FA9] =	sst s2  }
0xb: {  	[smem:$0x3FAA] =	sst s3  }
0xc: {  	[smem:$0x3FAB] =	sst s4  }
0xd: {  	[smem:$0x3FAC] =	sst s5  }
0xe: {  	[smem:$0x3FAD] =	sst s6  }
0xf: {  	[smem:$0x3FAE] =	sst s7  }
0x10: {  	[smem:$0x3FAF] =	sst s8  }
0x11: {  	[smem:$0x3FB0] =	sst s9;
	s0 =	simm.s32 @!p0 $0x0  }
0x12: {  	s1 =	sld [smem:$0x3F96];
	s0 =	simm.s32 @p0 $0x1  }
0x13: {  	[smem:$0x3FB1] =	sst s0;
	s0 =	simm.s32 @!p1 $0x0  }
0x14: {  	s2 =	sld [smem:$0x3F95];
	s0 =	simm.s32 @p1 $0x1  }
0x15: {  	[smem:$0x3FB2] =	sst s0;
	s0 =	simm.s32 @!p2 $0x0  }
0x16: {  	s3 =	sld [smem:$0x3FDB];
	s0 =	simm.s32 @p2 $0x1  }
0x17: {  	s4 =	simm.s32 $0x1BF5;
	[smem:$0x3FB4] =	sst s0  }
0x18: {  	s0 =	sld [smem:$0x3F97];
	_ =	swait.ge [sflag:s4], $0x0  }
0x19: {  	s7 =	sld [smem:$0x3F98]  }
0x1a: {  	s8 =	sadd.s32 $0xFFFFE003, lr  }
0x1b: {  	s9 =	sadd.s32 $0xFFFFFEF7, lr;
	s5 =	simm.s32 $0xFFFFFFFF;
	p2 =	slt.u32 s8, $0xFFFFF086  }
0x1c: {  	p1 =	slt.u32 s9, $0xF7A;
	s5 =	simm.s32 @!p2 $0x0  }
0x1d: {  	s5 =	simm.s32 @p1 $0x1;
	p0 =	seq.s32 s7, s2  }
0x1e: {  	s7 =	smul.u32 @!p0 $0xF7A, s2;
	p2 =	seq.s32 @!p0 s5, $0x0  }
0x1f: {  	s9 =	smul.u32 $0xF7A, s1;
	s8 =	simm.s32 @!p0 $0x1BF5;
	p2 =	por !p2, p0  }
0x20: {  	[sflag:s8] =	ssyncset.s32 @!p0 $0xFFFFF086;
	s6 =	sadd.s32 @!p0 s3, s7;
	s7 =	simm.s32 @!p0 $0x108  }
0x21: {  	s3 =	sadd.s32 s3, s9;
	s6 =	sadd.s32 @!p0 $0x88, s6;
	s7 =	simm.s32 @p2 $0x1082  }
0x22: {  	[simem:s7], [sflag:s8] =	dma.local @!p0 [hbm:s6], $0xF7A  }
0x23: {  	s9 =	sor.u32 $0xD0000000, s2;
	s6 =	simm.s32 $0x108;
	_ =	swait.ge @!p0 [sflag:s8], $0x0  }
0x24: {  	s3 =	sadd.s32 $0x88, s3;
	s6 =	simm.s32 @!p1 $0x1082;
	[sflag:s4] =	ssyncset.s32 $0xFFFFF086  }
0x25: {  	[simem:s6], [sflag:s4] =	dma.local [hbm:s3], $0xF7A  }
0x26: {  	[smem:$0x3F98] =	sst s1;
	(tag) =	ssettag s2;
	_ =	strace s9  }
0x27: {  	s1 =	sld [smem:$0x3FA8]  }
0x28: {  	s2 =	sld [smem:$0x3FA9]  }
0x29: {  	s4 =	sld [smem:$0x3FAB]  }
0x2a: {  	p0 =	seq.s32 s5, $0x0;
	s5 =	sld [smem:$0x3FAC]  }
0x2b: {  	s6 =	sld [smem:$0x3FAD]  }
0x2c: {  	s7 =	sld [smem:$0x3FAE]  }
0x2d: {  	s3 =	simm.s32 $0x108;
	s8 =	sld [smem:$0x3FAF]  }
0x2e: {  	s3 =	simm.s32 @!p0 $0x1082;
	s9 =	sld [smem:$0x3FB0]  }
0x2f: {  	lr =	sadd.s32 s0, s3;
	s0 =	sld [smem:$0x3FA7]  }
0x30: {  	s3 =	sld [smem:$0x3FAA]  }
0x31: {  	[smem:$0x3FB3] =	sst s10  }
0x32: {  	s10 =	sld [smem:$0x3FB1];
	_ =	sdelay $0x3  }
0x33: {  	p0 =	seq.s32 s10, $0x1;
	s10 =	sld [smem:$0x3FB3];
	_ =	sdelay $0x3  }
0x34: {  	[smem:$0x3FB3] =	sst s10  }
0x35: {  	s10 =	sld [smem:$0x3FB2];
	_ =	sdelay $0x3  }
0x36: {  	p1 =	seq.s32 s10, $0x1;
	s10 =	sld [smem:$0x3FB3];
	_ =	sdelay $0x3  }
0x37: {  	[smem:$0x3FB3] =	sst s10  }
0x38: {  	s10 =	sld [smem:$0x3FB4]  }
0x39: {  	_ = 	snop;
	(pc) =	sbr.ind lr, $3  }
0x3a: {  	_ = 	snop  }
0x3b: {  	_ = 	snop  }
0x3c: {  	p2 =	seq.s32 s10, $0x1;
	s10 =	sld [smem:$0x3FB3]  }
0x3d: {  	_ =	shalt  }
0x3e: {  	_ =	shalt  }
0x3f: {  	_ =	shalt  }
0x40: {  	_ =	shalt  }
0x41: {  	_ =	shalt  }
0x42: {  	_ =	shalt  }
0x43: {  	_ =	shalt  }
0x44: {  	_ =	shalt  }
0x45: {  	_ =	shalt  }
0x46: {  	_ =	shalt  }
0x47: {  	_ =	shalt  }
0x48: {  	_ =	shalt  }
0x49: {  	_ =	shalt  }
0x4a: {  	_ =	shalt  }
0x4b: {  	_ =	shalt  }
0x4c: {  	_ =	shalt  }
0x4d: {  	_ =	shalt  }
0x4e: {  	_ =	shalt  }
0x4f: {  	_ =	shalt  }
0x50: {  	_ =	shalt  }
0x51: {  	_ =	shalt  }
0x52: {  	_ =	shalt  }
0x53: {  	_ =	shalt  }
0x54: {  	_ =	shalt  }
0x55: {  	_ =	shalt  }
0x56: {  	_ =	shalt  }
0x57: {  	_ =	shalt  }
0x58: {  	_ =	shalt  }
0x59: {  	_ =	shalt  }
0x5a: {  	_ =	shalt  }
0x5b: {  	_ =	shalt  }
0x5c: {  	_ =	shalt  }
0x5d: {  	_ =	shalt  }
0x5e: {  	_ =	shalt  }
0x5f: {  	_ =	shalt  }
0x60: {  	_ =	shalt  }
0x61: {  	_ =	shalt  }
0x62: {  	_ =	shalt  }
0x63: {  	_ =	shalt  }
0x64: {  	_ =	shalt  }
0x65: {  	_ =	shalt  }
0x66: {  	_ =	shalt  }
0x67: {  	_ =	shalt  }
0x68: {  	_ =	shalt  }
0x69: {  	_ =	shalt  }
0x6a: {  	_ =	shalt  }
0x6b: {  	_ =	shalt  }
0x6c: {  	_ =	shalt  }
0x6d: {  	_ =	shalt  }
0x6e: {  	_ =	shalt  }
0x6f: {  	_ =	shalt  }
0x70: {  	_ =	shalt  }
0x71: {  	_ =	shalt  }
0x72: {  	_ =	shalt  }
0x73: {  	_ =	shalt  }
0x74: {  	_ =	shalt  }
0x75: {  	_ =	shalt  }
0x76: {  	_ =	shalt  }
0x77: {  	_ =	shalt  }
0x78: {  	_ =	shalt  }
0x79: {  	_ =	shalt  }
0x7a: {  	_ =	shalt  }
0x7b: {  	_ =	shalt  }
0x7c: {  	_ =	shalt  }
0x7d: {  	_ =	shalt  }
0x7e: {  	_ =	shalt  }
0x7f: {  	_ =	shalt  }
0x80: {  	_ =	shalt  }
0x81: {  	_ =	shalt  }
0x82: {  	_ =	shalt  }
0x83: {  	_ =	shalt  }
0x84: {  	_ =	shalt  }
0x85: {  	_ =	shalt  }
0x86: {  	_ =	shalt  }
0x87: {  	_ =	shalt  }
.Lfunc_end0:
.L_simem_size_0:
called_computation_lowered:
.L_overlay_start_0:
0x88: {  	s2 =	sld [smem:$0x3FD9]  }
0x89: {  	s3 =	sld [smem:$0x3FFE];
	_ =	sdelay $0x1  }
0x8a: {  	s1 =	srdreg.scid  }
0x8b: {  	s0 =	sand.u32 $0x1, s1  }
0x8c: {  	s18 =	sshll.u32 s0, $0xA;
	s2 =	sadd.s32 s3, s2  }
0x8d: {  	s2 =	sadd.s32 s2, s18  }
0x8e: {  	[smem:$0x3FBF] =	sst s2  }
0x8f: {  	_ = 	snop  }
0x90: {  	s2 =	sld [smem:$0x3FC9]  }
0x91: {  	s19 =	sld [smem:$0x3FC7]  }
0x92: {  	s4 =	sld [smem:$0x3FD0];
	(tm) =	ssettm $0x1  }
0x93: {  	s5 =	sld [smem:$0x3FFB];
	_ =	sdelay $0x3  }
0x94: {  	_ =	strace s5  }
0x95: {  	s5 =	sld [smem:$0x3FFC];
	_ =	sdelay $0x3  }
0x96: {  	_ =	strace s5  }
0x97: {  	s5 =	sld [smem:$0x3FFD];
	_ =	sdelay $0x3  }
0x98: {  	_ =	strace s5  }
0x99: {  	_ =	strace $0x8FFFFFFF  }
0x9a: {  	s20 =	sld [smem:$0x3FDB];
	_ =	sdelay $0x1  }
0x9b: {  	s6 =	simm.s32 $_scs_section_size  }
0x9c: {  	s7 =	simm.s32 $_size__tile_overlayer_lowered;
	s8 =	simm.s32 $_tile_overlayer_lowered  }
0x9d: {  	s23 =	simm.s32 $0x1BFF;
	s22 =	sshll.u32 s8, $0x1;
	s5 =	sadd.s32 s6, s20  }
0x9e: {  	s9 =	simm.s32 $0x0;
	s21 =	sshll.u32 s7, $0x1;
	s7 =	sadd.s32 s22, s5  }
0x9f: {  	[timem:s9], [sflag:s23] =	dma.local [hbm:s7], s21  }
0xa0: {  	_ =	swait.ge [sflag:s23], s21  }
0xa1: {  	s6 =	ssub.s32 $0x0, s21;
	[sflag:s23] =	ssyncset.done $0x0  }
0xa2: {  	[sflag:s23] =	ssyncadd.s32 s6;
	_ =	sdelay $0x1  }
0xa3: {  	s24 =	simm.s32 $0x1B8B  }
0xa4: {  	_ =	swait.ge [sflag:s24], $0x1  }
0xa5: {  	[sflag:s24] =	ssyncset.done $0x0  }
0xa6: {  	s25 =	simm.s32 $0x1B8E;
	[sflag:s24] =	ssyncadd.s32 $0xFFFFFFFF  }
0xa7: {  	s26 =	simm.s32 $execute0_lowered;
	[smem:$0x3FD2] =	sst s25  }
0xa8: {  	s6 =	sshll.u32 s26, $0x1;
	_ =	strace $0x80000046;
	[dreg:$0x1] =	wrdreg $0xFFFFFFFF  }
0xa9: {  	s28 =	simm.s32 $_size_execute0_lowered;
	s5 =	sadd.s32 s5, s6;
	[dreg:$0x0] =	wrdreg $0x0  }
0xaa: {  	s6 =	sshll.u32 s28, $0x1;
	[dreg:$0x2] =	wrdreg s5  }
0xab: {  	[dreg:$0x3] =	wrdreg s6  }
0xac: {  	[dreg:$0x4] =	wrdreg $0xC0  }
0xad: {  	_ =	task [dreg:s9], $0x5FFFF  }
0xae: {  	[dreg:$0x1] =	wrdreg $0xFFFFFFFF  }
0xaf: {  	[dreg:$0x0] =	wrdreg $0x60  }
0xb0: {  	[dreg:$0x2] =	wrdreg s19  }
0xb1: {  	[dreg:$0x3] =	wrdreg s2  }
0xb2: {  	[dreg:$0x4] =	wrdreg s4  }
0xb3: {  	[dreg:$0x5] =	wrdreg $0x9  }
0xb4: {  	_ =	task.clear_ibuf [dreg:s9], $0x6FFFF;
	_ =	strace $0x90000046  }
0xb5: {  	s29 =	simm.s32 $0x9;
	_ =	strace $0x80000048  }
0xb6: {  	_ =	swait.ge [sflag:s29], $0x1  }
0xb7: {  	[sflag:s29] =	ssyncadd.s32 $0xFFFFFFFF  }
0xb8: {  	_ =	strace $0x90000048  }
0xb9: {  	_ =	sfence  }
0xba: {  	s30 =	sld [smem:$0x0];
	_ =	sdelay $0x2  }
0xbb: {  	s31 =	sshll.u32 s1, $0xD;
	s1 =	sshrl.u32 s1, $0x2  }
0xbc: {  	s3 =	sand.u32 $0x4000, s31;
	s1 =	sadd.s32 s1, s30  }
0xbd: {  	s0 =	sor.u32 s3, s0;
	s1 =	sshll.u32 s1, $0x11  }
0xbe: {  	s0 =	sor.u32 s1, s0  }
0xbf: {  	s0 =	sadd.s32 $0x8F2B, s0  }
0xc0: {  	[sflag:s0] =	ssyncadd.remote.s32 $0x1  }
0xc1: {  	_ =	sfence.sel $0xFFFF  }
0xc2: {  	[dreg:$0x0] =	wrdreg $0xFFFFFFFF;
	(pc) =	sbr.abs _section_cstart, $3  }
0xc3: {  	[dreg:$0x1] =	wrdreg $0xFFFFFFFF  }
0xc4: {  	_ =	task.clear_ibuf [dreg:s9], $0x2FFFF;
	_ =	strace $0x9FFFFFFF  }
0xc5: {  	(tm) =	ssettm $0x7FFFFFFF  }
tec
execute0_lowered:
.L_overlay_start_1:
0x0: {  	(tag) =	ssettag $0x1  }
0x1: {  	s4 =	rddreg [dreg:$0x0]  }
0x2: {  	s2 =	rddreg [dreg:$0x1]  }
0x3: {  	s0 =	srdreg.scid;
	s6 =	rddreg [dreg:$0x2];
	s3 =	simm.s32 $0x0  }
0x4: {  	s10 =	simm.s32 $0x18700;
	s11 =	simm.s32 $0x2;
	s5 =	sand.u32 $0x1, s0  }
0x5: {  	s12 =	simm.s32 $0x1;
	s0 =	stileid.u32;
	s1 =	sshll.u32 s5, $0x4  }
0x6: {  	s13 =	simm.s32 $0x1C700;
	s14 =	simm.s32 $0x0;
	s7 =	sor.u32 s0, s1  }
0x7: {  	[smem:$0x7FF] =	sst s3;
	s8 =	sshll.u32 s0, $0x7;
	s7 =	sshrl.u32 s7, $0x3  }
0x8: {  	s5 =	ssub.s32 $0x2, s5;
	s1 =	rddreg [dreg:$0x3];
	s9 =	smul.u32 $0xC3800, s7  }
0x9: {  	_ =	strace $0x80000047;
	s8 =	sand.u32 $0x380, s8;
	s7 =	sshll.u32 s7, $0x11  }
0xa: {  	s31 =	sshrl.u32 s5, $0x1;
	s7 =	sor.u32 s8, s7;
	s9 =	sor.u32 s8, s9  }
0xb: {  	s7 =	sshrl.u32 s7, $0x3;
	s8 =	ssub.s32 s5, s31;
	s9 =	sshrl.u32 s9, $0x3  }
0xc: {  	s5 =	sadd.s32 s6, s7;
	s7 =	smax.u32 s8, $0x1;
	s8 =	simm.s32 $0x80  }
0xd: {  	s4 =	sadd.s32 s4, s9;
	s6 =	sadd.s32 $0x2000, s5;
	s9 =	simm.s32 $0x400  }
.LBB2_1:
0xe: {  	[tilespmem:s3], [sflag:$0x1] =	stream.strided.gather [hbm4b:s4+s8], $0x18700, s9, s8, $0x38;
	[tilespmem:$0x1E700] =	vst v63  }
0xf: {  	_ = 	snop  }
0x10: {  	[tilespmem:s10], [sflag:$0x2] =	stream.linear.gather [hbm4b:s2+s3], $0x4000, $0x38;
	[tilespmem:$0x1E700] =	vst v63  }
0x11: {  	_ =	swait.ge [sflag:s11], $0x4000  }
0x12: {  	[sflag:s11] =	ssyncset.done $0x0  }
0x13: {  	[sflag:s11] =	ssyncadd.s32 $0xFFFFC000  }
0x14: {  	_ =	swait.ge [sflag:s12], $0x18700  }
0x15: {  	[sflag:s12] =	ssyncset.done $0x0  }
0x16: {  	s15 =	simm.s32 $0x0;
	[sflag:s12] =	ssyncadd.s32 $0xFFFE7900  }
0x17: {  	v0 =	vld [tilespmem:s15+$0x18700];
	_ =	sdelay $0x5  }
0x18: {  	v1 =	vld [tilespmem:s15+$0x18710];
	_ =	sdelay $0x1  }
0x19: {  	v0 =	vld.idx.msk [tilespmem:v0+s3+$0x0], $0xffff;
	_ =	sdelay $0x4  }
0x1a: {  	[tilespmem:s15+$0x1C700] =	vst v0;
	v0 =	vld [tilespmem:s15+$0x18720]  }
0x1b: {  	v1 =	vld.idx.msk [tilespmem:v1+s3+$0x0], $0xffff;
	_ =	sdelay $0x4  }
0x1c: {  	[tilespmem:s15+$0x1C710] =	vst v1;
	v1 =	vld [tilespmem:s15+$0x18730];
	_ =	sdelay $0x1  }
0x1d: {  	v0 =	vld.idx.msk [tilespmem:v0+s3+$0x0], $0xffff;
	_ =	sdelay $0x4  }
0x1e: {  	[tilespmem:s15+$0x1C720] =	vst v0;
	v0 =	vld [tilespmem:s15+$0x18740]  }
0x1f: {  	v1 =	vld.idx.msk [tilespmem:v1+s3+$0x0], $0xffff;
	_ =	sdelay $0x4  }
0x20: {  	[tilespmem:s15+$0x1C730] =	vst v1;
	v1 =	vld [tilespmem:s15+$0x18750];
	_ =	sdelay $0x1  }
0x21: {  	v0 =	vld.idx.msk [tilespmem:v0+s3+$0x0], $0xffff;
	_ =	sdelay $0x4  }
0x22: {  	[tilespmem:s15+$0x1C740] =	vst v0;
	v0 =	vld [tilespmem:s15+$0x18760]  }
0x23: {  	v1 =	vld.idx.msk [tilespmem:v1+s3+$0x0], $0xffff;
	_ =	sdelay $0x4  }
0x24: {  	[tilespmem:s15+$0x1C750] =	vst v1;
	v1 =	vld [tilespmem:s15+$0x18770];
	_ =	sdelay $0x1  }
0x25: {  	v0 =	vld.idx.msk [tilespmem:v0+s3+$0x0], $0xffff;
	_ =	sdelay $0x4  }
0x26: {  	[tilespmem:s15+$0x1C760] =	vst v0;
	v0 =	vld [tilespmem:s15+$0x18780]  }
0x27: {  	v1 =	vld.idx.msk [tilespmem:v1+s3+$0x0], $0xffff;
	_ =	sdelay $0x4  }
0x28: {  	[tilespmem:s15+$0x1C770] =	vst v1;
	v1 =	vld [tilespmem:s15+$0x18790];
	_ =	sdelay $0x1  }
0x29: {  	v0 =	vld.idx.msk [tilespmem:v0+s3+$0x0], $0xffff;
	_ =	sdelay $0x4  }
0x2a: {  	[tilespmem:s15+$0x1C780] =	vst v0;
	v0 =	vld [tilespmem:s15+$0x187A0]  }
0x2b: {  	v1 =	vld.idx.msk [tilespmem:v1+s3+$0x0], $0xffff;
	_ =	sdelay $0x4  }
0x2c: {  	[tilespmem:s15+$0x1C790] =	vst v1;
	v1 =	vld [tilespmem:s15+$0x187B0];
	_ =	sdelay $0x1  }
0x2d: {  	v0 =	vld.idx.msk [tilespmem:v0+s3+$0x0], $0xffff;
	_ =	sdelay $0x4  }
0x2e: {  	[tilespmem:s15+$0x1C7A0] =	vst v0;
	v0 =	vld [tilespmem:s15+$0x187C0]  }
0x2f: {  	v1 =	vld.idx.msk [tilespmem:v1+s3+$0x0], $0xffff;
	_ =	sdelay $0x4  }
0x30: {  	[tilespmem:s15+$0x1C7B0] =	vst v1;
	v1 =	vld [tilespmem:s15+$0x187D0];
	_ =	sdelay $0x1  }
0x31: {  	v0 =	vld.idx.msk [tilespmem:v0+s3+$0x0], $0xffff;
	_ =	sdelay $0x4  }
0x32: {  	v2 =	vld [tilespmem:s15+$0x187E0];
	[tilespmem:s15+$0x1C7C0] =	vst v0  }
0x33: {  	v0 =	vld.idx.msk [tilespmem:v1+s3+$0x0], $0xffff;
	_ =	sdelay $0x4  }
0x34: {  	[tilespmem:s15+$0x1C7D0] =	vst v0;
	v0 =	vld [tilespmem:s15+$0x187F0];
	_ =	sdelay $0x1  }
0x35: {  	v1 =	vld.idx.msk [tilespmem:v2+s3+$0x0], $0xffff;
	_ =	sdelay $0x3  }
0x36: {  	s17 =	simm.s32 $0x100;
	s16 =	simm.s32 $0x800  }
.LBB2_2:
0x37: {  	p0 =	sne.s32 s16, $0x7C00;
	v2 =	vld [tilespmem:s17+$0x18700];
	[tilespmem:s15+$0x1C7E0] =	vst v1  }
0x38: {  	v0 =	vld.idx.msk [tilespmem:v0+s3+$0x0], $0xffff;
	_ =	sdelay $0x5  }
0x39: {  	v1 =	vld [tilespmem:s17+$0x18710];
	[tilespmem:s15+$0x1C7F0] =	vst v0;
	s15 =	smov.u32 s17  }
0x3a: {  	v0 =	vld.idx.msk [tilespmem:v2+s3+$0x0], $0xffff;
	_ =	sdelay $0x5  }
0x3b: {  	[tilespmem:s15+$0x1C700] =	vst v0;
	v0 =	vld [tilespmem:s15+$0x18720]  }
0x3c: {  	v1 =	vld.idx.msk [tilespmem:v1+s3+$0x0], $0xffff;
	_ =	sdelay $0x5  }
0x3d: {  	[tilespmem:s15+$0x1C710] =	vst v1;
	v1 =	vld [tilespmem:s15+$0x18730]  }
0x3e: {  	v0 =	vld.idx.msk [tilespmem:v0+s3+$0x0], $0xffff;
	_ =	sdelay $0x5  }
0x3f: {  	[tilespmem:s15+$0x1C720] =	vst v0;
	v0 =	vld [tilespmem:s15+$0x18740]  }
0x40: {  	v1 =	vld.idx.msk [tilespmem:v1+s3+$0x0], $0xffff;
	_ =	sdelay $0x5  }
0x41: {  	[tilespmem:s15+$0x1C730] =	vst v1;
	v1 =	vld [tilespmem:s15+$0x18750]  }
0x42: {  	v0 =	vld.idx.msk [tilespmem:v0+s3+$0x0], $0xffff;
	_ =	sdelay $0x5  }
0x43: {  	[tilespmem:s15+$0x1C740] =	vst v0;
	v0 =	vld [tilespmem:s15+$0x18760]  }
0x44: {  	v1 =	vld.idx.msk [tilespmem:v1+s3+$0x0], $0xffff;
	_ =	sdelay $0x5  }
0x45: {  	[tilespmem:s15+$0x1C750] =	vst v1;
	v1 =	vld [tilespmem:s15+$0x18770]  }
0x46: {  	v0 =	vld.idx.msk [tilespmem:v0+s3+$0x0], $0xffff;
	_ =	sdelay $0x5  }
0x47: {  	[tilespmem:s15+$0x1C760] =	vst v0;
	v0 =	vld [tilespmem:s15+$0x18780]  }
0x48: {  	v1 =	vld.idx.msk [tilespmem:v1+s3+$0x0], $0xffff;
	_ =	sdelay $0x5  }
0x49: {  	[tilespmem:s15+$0x1C770] =	vst v1;
	v1 =	vld [tilespmem:s15+$0x18790]  }
0x4a: {  	v0 =	vld.idx.msk [tilespmem:v0+s3+$0x0], $0xffff;
	_ =	sdelay $0x5  }
0x4b: {  	[tilespmem:s15+$0x1C780] =	vst v0;
	v0 =	vld [tilespmem:s15+$0x187A0]  }
0x4c: {  	v1 =	vld.idx.msk [tilespmem:v1+s3+$0x0], $0xffff;
	_ =	sdelay $0x5  }
0x4d: {  	[tilespmem:s15+$0x1C790] =	vst v1;
	v1 =	vld [tilespmem:s15+$0x187B0]  }
0x4e: {  	v0 =	vld.idx.msk [tilespmem:v0+s3+$0x0], $0xffff;
	_ =	sdelay $0x5  }
0x4f: {  	[tilespmem:s15+$0x1C7A0] =	vst v0;
	v0 =	vld [tilespmem:s15+$0x187C0]  }
0x50: {  	v1 =	vld.idx.msk [tilespmem:v1+s3+$0x0], $0xffff;
	_ =	sdelay $0x5  }
0x51: {  	[tilespmem:s15+$0x1C7B0] =	vst v1;
	v1 =	vld [tilespmem:s15+$0x187D0]  }
0x52: {  	v0 =	vld.idx.msk [tilespmem:v0+s3+$0x0], $0xffff;
	_ =	sdelay $0x5  }
0x53: {  	[tilespmem:s15+$0x1C7C0] =	vst v0;
	v2 =	vld [tilespmem:s15+$0x187E0]  }
0x54: {  	v0 =	vld.idx.msk [tilespmem:v1+s3+$0x0], $0xffff;
	_ =	sdelay $0x5  }
0x55: {  	[tilespmem:s15+$0x1C7D0] =	vst v0;
	v0 =	vld [tilespmem:s15+$0x187F0]  }
0x56: {  	v1 =	vld.idx.msk [tilespmem:v2+s3+$0x0], $0xffff  }
.Ltmp0:
0x57: {  	(pc) =	sbr.rel @p0 .LBB2_2-.Ltmp0, $2  }
0x58: {  	_ =	sdelay $0x2  }
0x59: {  	s17 =	sshra.s32 s16, $0x2;
	s16 =	sadd.s32 $0x400, s16  }
0x5a: {  	_ =	sdelay $0x1  }
0x5b: {  	v2 =	vld [tilespmem:s17+$0x18700]  }
0x5c: {  	[tilespmem:s15+$0x1C7E0] =	vst v1  }
0x5d: {  	v0 =	vld.idx.msk [tilespmem:v0+s3+$0x0], $0xffff;
	_ =	sdelay $0x3  }
0x5e: {  	v1 =	vld [tilespmem:s17+$0x18710]  }
0x5f: {  	[tilespmem:s15+$0x1C7F0] =	vst v0  }
0x60: {  	v0 =	vld.idx.msk [tilespmem:v2+s3+$0x0], $0xffff;
	_ =	sdelay $0x4  }
0x61: {  	[tilespmem:s17+$0x1C700] =	vst v0;
	v0 =	vld [tilespmem:s17+$0x18720]  }
0x62: {  	v1 =	vld.idx.msk [tilespmem:v1+s3+$0x0], $0xffff;
	_ =	sdelay $0x4  }
0x63: {  	[tilespmem:s17+$0x1C710] =	vst v1;
	v1 =	vld [tilespmem:s17+$0x18730];
	_ =	sdelay $0x1  }
0x64: {  	v0 =	vld.idx.msk [tilespmem:v0+s3+$0x0], $0xffff;
	_ =	sdelay $0x4  }
0x65: {  	[tilespmem:s17+$0x1C720] =	vst v0;
	v0 =	vld [tilespmem:s17+$0x18740]  }
0x66: {  	v1 =	vld.idx.msk [tilespmem:v1+s3+$0x0], $0xffff;
	_ =	sdelay $0x4  }
0x67: {  	[tilespmem:s17+$0x1C730] =	vst v1;
	v1 =	vld [tilespmem:s17+$0x18750];
	_ =	sdelay $0x1  }
0x68: {  	v0 =	vld.idx.msk [tilespmem:v0+s3+$0x0], $0xffff;
	_ =	sdelay $0x4  }
0x69: {  	[tilespmem:s17+$0x1C740] =	vst v0;
	v0 =	vld [tilespmem:s17+$0x18760]  }
0x6a: {  	v1 =	vld.idx.msk [tilespmem:v1+s3+$0x0], $0xffff;
	_ =	sdelay $0x4  }
0x6b: {  	[tilespmem:s17+$0x1C750] =	vst v1;
	v1 =	vld [tilespmem:s17+$0x18770];
	_ =	sdelay $0x1  }
0x6c: {  	v0 =	vld.idx.msk [tilespmem:v0+s3+$0x0], $0xffff;
	_ =	sdelay $0x4  }
0x6d: {  	[tilespmem:s17+$0x1C760] =	vst v0;
	v0 =	vld [tilespmem:s17+$0x18780]  }
0x6e: {  	v1 =	vld.idx.msk [tilespmem:v1+s3+$0x0], $0xffff;
	_ =	sdelay $0x4  }
0x6f: {  	[tilespmem:s17+$0x1C770] =	vst v1;
	v1 =	vld [tilespmem:s17+$0x18790];
	_ =	sdelay $0x1  }
0x70: {  	v0 =	vld.idx.msk [tilespmem:v0+s3+$0x0], $0xffff;
	_ =	sdelay $0x4  }
0x71: {  	[tilespmem:s17+$0x1C780] =	vst v0;
	v0 =	vld [tilespmem:s17+$0x187A0]  }
0x72: {  	v1 =	vld.idx.msk [tilespmem:v1+s3+$0x0], $0xffff;
	_ =	sdelay $0x4  }
0x73: {  	[tilespmem:s17+$0x1C790] =	vst v1;
	v1 =	vld [tilespmem:s17+$0x187B0];
	_ =	sdelay $0x1  }
0x74: {  	v0 =	vld.idx.msk [tilespmem:v0+s3+$0x0], $0xffff;
	_ =	sdelay $0x4  }
0x75: {  	[tilespmem:s17+$0x1C7A0] =	vst v0;
	v0 =	vld [tilespmem:s17+$0x187C0]  }
0x76: {  	v1 =	vld.idx.msk [tilespmem:v1+s3+$0x0], $0xffff;
	_ =	sdelay $0x4  }
0x77: {  	[tilespmem:s17+$0x1C7B0] =	vst v1;
	v1 =	vld [tilespmem:s17+$0x187D0];
	_ =	sdelay $0x1  }
0x78: {  	v0 =	vld.idx.msk [tilespmem:v0+s3+$0x0], $0xffff;
	_ =	sdelay $0x4  }
0x79: {  	[tilespmem:s17+$0x1C7C0] =	vst v0;
	v0 =	vld [tilespmem:s17+$0x187E0]  }
0x7a: {  	v1 =	vld.idx.msk [tilespmem:v1+s3+$0x0], $0xffff;
	_ =	sdelay $0x4  }
0x7b: {  	[tilespmem:s17+$0x1C7D0] =	vst v1;
	v1 =	vld [tilespmem:s17+$0x187F0];
	_ =	sdelay $0x1  }
0x7c: {  	v0 =	vld.idx.msk [tilespmem:v0+s3+$0x0], $0xffff;
	_ =	sdelay $0x4  }
0x7d: {  	[tilespmem:s17+$0x1C7E0] =	vst v0  }
0x7e: {  	v0 =	vld.idx.msk [tilespmem:v1+s3+$0x0], $0xffff;
	_ =	sdelay $0x4  }
0x7f: {  	[tilespmem:s17+$0x1C7F0] =	vst v0  }
0x80: {  	[hbm4b:s5+s8] =	stream.strided.scatter [tilespmem:s13], [sflag:$0x2], $0x2000, s9, s8, $0x38;
	[tilespmem:$0x1E700] =	vst v63  }
0x81: {  	_ =	swait.ge [sflag:s11], $0x2000  }
0x82: {  	[sflag:s11] =	ssyncset.done $0x0  }
0x83: {  	s15 =	simm.s32 $0x0;
	[sflag:s11] =	ssyncadd.s32 $0xFFFFE000  }
0x84: {  	v0 =	vld [tilespmem:s15+$0x1A700];
	_ =	sdelay $0x5  }
0x85: {  	v1 =	vld [tilespmem:s15+$0x1A710];
	_ =	sdelay $0x1  }
0x86: {  	v0 =	vld.idx.msk [tilespmem:v0+s3+$0x0], $0xffff;
	_ =	sdelay $0x4  }
0x87: {  	[tilespmem:s15+$0x1C700] =	vst v0;
	v0 =	vld [tilespmem:s15+$0x1A720]  }
0x88: {  	v1 =	vld.idx.msk [tilespmem:v1+s3+$0x0], $0xffff;
	_ =	sdelay $0x4  }
0x89: {  	[tilespmem:s15+$0x1C710] =	vst v1;
	v1 =	vld [tilespmem:s15+$0x1A730];
	_ =	sdelay $0x1  }
0x8a: {  	v0 =	vld.idx.msk [tilespmem:v0+s3+$0x0], $0xffff;
	_ =	sdelay $0x4  }
0x8b: {  	[tilespmem:s15+$0x1C720] =	vst v0;
	v0 =	vld [tilespmem:s15+$0x1A740]  }
0x8c: {  	v1 =	vld.idx.msk [tilespmem:v1+s3+$0x0], $0xffff;
	_ =	sdelay $0x4  }
0x8d: {  	[tilespmem:s15+$0x1C730] =	vst v1;
	v1 =	vld [tilespmem:s15+$0x1A750];
	_ =	sdelay $0x1  }
0x8e: {  	v0 =	vld.idx.msk [tilespmem:v0+s3+$0x0], $0xffff;
	_ =	sdelay $0x4  }
0x8f: {  	[tilespmem:s15+$0x1C740] =	vst v0;
	v0 =	vld [tilespmem:s15+$0x1A760]  }
0x90: {  	v1 =	vld.idx.msk [tilespmem:v1+s3+$0x0], $0xffff;
	_ =	sdelay $0x4  }
0x91: {  	[tilespmem:s15+$0x1C750] =	vst v1;
	v1 =	vld [tilespmem:s15+$0x1A770];
	_ =	sdelay $0x1  }
0x92: {  	v0 =	vld.idx.msk [tilespmem:v0+s3+$0x0], $0xffff;
	_ =	sdelay $0x4  }
0x93: {  	[tilespmem:s15+$0x1C760] =	vst v0;
	v0 =	vld [tilespmem:s15+$0x1A780]  }
0x94: {  	v1 =	vld.idx.msk [tilespmem:v1+s3+$0x0], $0xffff;
	_ =	sdelay $0x4  }
0x95: {  	[tilespmem:s15+$0x1C770] =	vst v1;
	v1 =	vld [tilespmem:s15+$0x1A790];
	_ =	sdelay $0x1  }
0x96: {  	v0 =	vld.idx.msk [tilespmem:v0+s3+$0x0], $0xffff;
	_ =	sdelay $0x4  }
0x97: {  	[tilespmem:s15+$0x1C780] =	vst v0;
	v0 =	vld [tilespmem:s15+$0x1A7A0]  }
0x98: {  	v1 =	vld.idx.msk [tilespmem:v1+s3+$0x0], $0xffff;
	_ =	sdelay $0x4  }
0x99: {  	[tilespmem:s15+$0x1C790] =	vst v1;
	v1 =	vld [tilespmem:s15+$0x1A7B0];
	_ =	sdelay $0x1  }
0x9a: {  	v0 =	vld.idx.msk [tilespmem:v0+s3+$0x0], $0xffff;
	_ =	sdelay $0x4  }
0x9b: {  	[tilespmem:s15+$0x1C7A0] =	vst v0;
	v0 =	vld [tilespmem:s15+$0x1A7C0]  }
0x9c: {  	v1 =	vld.idx.msk [tilespmem:v1+s3+$0x0], $0xffff;
	_ =	sdelay $0x4  }
0x9d: {  	[tilespmem:s15+$0x1C7B0] =	vst v1;
	v1 =	vld [tilespmem:s15+$0x1A7D0];
	_ =	sdelay $0x1  }
0x9e: {  	v0 =	vld.idx.msk [tilespmem:v0+s3+$0x0], $0xffff;
	_ =	sdelay $0x4  }
0x9f: {  	v2 =	vld [tilespmem:s15+$0x1A7E0];
	[tilespmem:s15+$0x1C7C0] =	vst v0  }
0xa0: {  	v0 =	vld.idx.msk [tilespmem:v1+s3+$0x0], $0xffff;
	_ =	sdelay $0x4  }
0xa1: {  	[tilespmem:s15+$0x1C7D0] =	vst v0;
	v0 =	vld [tilespmem:s15+$0x1A7F0];
	_ =	sdelay $0x1  }
0xa2: {  	v1 =	vld.idx.msk [tilespmem:v2+s3+$0x0], $0xffff;
	_ =	sdelay $0x3  }
0xa3: {  	s16 =	simm.s32 $0x800;
	s17 =	simm.s32 $0x100  }
.LBB2_4:
0xa4: {  	p0 =	sne.s32 s16, $0x7C00;
	v2 =	vld [tilespmem:s17+$0x1A700];
	[tilespmem:s15+$0x1C7E0] =	vst v1  }
0xa5: {  	v0 =	vld.idx.msk [tilespmem:v0+s3+$0x0], $0xffff;
	_ =	sdelay $0x5  }
0xa6: {  	v1 =	vld [tilespmem:s17+$0x1A710];
	[tilespmem:s15+$0x1C7F0] =	vst v0;
	s15 =	smov.u32 s17  }
0xa7: {  	v0 =	vld.idx.msk [tilespmem:v2+s3+$0x0], $0xffff;
	_ =	sdelay $0x5  }
0xa8: {  	[tilespmem:s15+$0x1C700] =	vst v0;
	v0 =	vld [tilespmem:s15+$0x1A720]  }
0xa9: {  	v1 =	vld.idx.msk [tilespmem:v1+s3+$0x0], $0xffff;
	_ =	sdelay $0x5  }
0xaa: {  	[tilespmem:s15+$0x1C710] =	vst v1;
	v1 =	vld [tilespmem:s15+$0x1A730]  }
0xab: {  	v0 =	vld.idx.msk [tilespmem:v0+s3+$0x0], $0xffff;
	_ =	sdelay $0x5  }
0xac: {  	[tilespmem:s15+$0x1C720] =	vst v0;
	v0 =	vld [tilespmem:s15+$0x1A740]  }
0xad: {  	v1 =	vld.idx.msk [tilespmem:v1+s3+$0x0], $0xffff;
	_ =	sdelay $0x5  }
0xae: {  	[tilespmem:s15+$0x1C730] =	vst v1;
	v1 =	vld [tilespmem:s15+$0x1A750]  }
0xaf: {  	v0 =	vld.idx.msk [tilespmem:v0+s3+$0x0], $0xffff;
	_ =	sdelay $0x5  }
0xb0: {  	[tilespmem:s15+$0x1C740] =	vst v0;
	v0 =	vld [tilespmem:s15+$0x1A760]  }
0xb1: {  	v1 =	vld.idx.msk [tilespmem:v1+s3+$0x0], $0xffff;
	_ =	sdelay $0x5  }
0xb2: {  	[tilespmem:s15+$0x1C750] =	vst v1;
	v1 =	vld [tilespmem:s15+$0x1A770]  }
0xb3: {  	v0 =	vld.idx.msk [tilespmem:v0+s3+$0x0], $0xffff;
	_ =	sdelay $0x5  }
0xb4: {  	[tilespmem:s15+$0x1C760] =	vst v0;
	v0 =	vld [tilespmem:s15+$0x1A780]  }
0xb5: {  	v1 =	vld.idx.msk [tilespmem:v1+s3+$0x0], $0xffff;
	_ =	sdelay $0x5  }
0xb6: {  	[tilespmem:s15+$0x1C770] =	vst v1;
	v1 =	vld [tilespmem:s15+$0x1A790]  }
0xb7: {  	v0 =	vld.idx.msk [tilespmem:v0+s3+$0x0], $0xffff;
	_ =	sdelay $0x5  }
0xb8: {  	[tilespmem:s15+$0x1C780] =	vst v0;
	v0 =	vld [tilespmem:s15+$0x1A7A0]  }
0xb9: {  	v1 =	vld.idx.msk [tilespmem:v1+s3+$0x0], $0xffff;
	_ =	sdelay $0x5  }
0xba: {  	[tilespmem:s15+$0x1C790] =	vst v1;
	v1 =	vld [tilespmem:s15+$0x1A7B0]  }
0xbb: {  	v0 =	vld.idx.msk [tilespmem:v0+s3+$0x0], $0xffff;
	_ =	sdelay $0x5  }
0xbc: {  	[tilespmem:s15+$0x1C7A0] =	vst v0;
	v0 =	vld [tilespmem:s15+$0x1A7C0]  }
0xbd: {  	v1 =	vld.idx.msk [tilespmem:v1+s3+$0x0], $0xffff;
	_ =	sdelay $0x5  }
0xbe: {  	[tilespmem:s15+$0x1C7B0] =	vst v1;
	v1 =	vld [tilespmem:s15+$0x1A7D0]  }
0xbf: {  	v0 =	vld.idx.msk [tilespmem:v0+s3+$0x0], $0xffff;
	_ =	sdelay $0x5  }
0xc0: {  	[tilespmem:s15+$0x1C7C0] =	vst v0;
	v2 =	vld [tilespmem:s15+$0x1A7E0]  }
0xc1: {  	v0 =	vld.idx.msk [tilespmem:v1+s3+$0x0], $0xffff;
	_ =	sdelay $0x5  }
0xc2: {  	[tilespmem:s15+$0x1C7D0] =	vst v0;
	v0 =	vld [tilespmem:s15+$0x1A7F0]  }
0xc3: {  	v1 =	vld.idx.msk [tilespmem:v2+s3+$0x0], $0xffff  }
.Ltmp1:
0xc4: {  	(pc) =	sbr.rel @p0 .LBB2_4-.Ltmp1, $2  }
0xc5: {  	_ =	sdelay $0x2  }
0xc6: {  	s17 =	sshra.s32 s16, $0x2;
	s16 =	sadd.s32 $0x400, s16  }
0xc7: {  	_ =	sdelay $0x1  }
0xc8: {  	v2 =	vld [tilespmem:s17+$0x1A700]  }
0xc9: {  	[tilespmem:s15+$0x1C7E0] =	vst v1  }
0xca: {  	v0 =	vld.idx.msk [tilespmem:v0+s3+$0x0], $0xffff;
	_ =	sdelay $0x3  }
0xcb: {  	v1 =	vld [tilespmem:s17+$0x1A710]  }
0xcc: {  	[tilespmem:s15+$0x1C7F0] =	vst v0  }
0xcd: {  	v0 =	vld.idx.msk [tilespmem:v2+s3+$0x0], $0xffff;
	_ =	sdelay $0x3  }
0xce: {  	v50 =	vld [tilespmem:s17+$0x1A720]  }
0xcf: {  	[tilespmem:s17+$0x1C700] =	vst v0  }
0xd0: {  	v1 =	vld.idx.msk [tilespmem:v1+s3+$0x0], $0xffff;
	_ =	sdelay $0x3  }
0xd1: {  	v51 =	vld [tilespmem:s17+$0x1A730]  }
0xd2: {  	[tilespmem:s17+$0x1C710] =	vst v1  }
0xd3: {  	v0 =	vld.idx.msk [tilespmem:v50+s3+$0x0], $0xffff;
	_ =	sdelay $0x3  }
0xd4: {  	v52 =	vld [tilespmem:s17+$0x1A740]  }
0xd5: {  	[tilespmem:s17+$0x1C720] =	vst v0  }
0xd6: {  	v1 =	vld.idx.msk [tilespmem:v51+s3+$0x0], $0xffff;
	_ =	sdelay $0x3  }
0xd7: {  	v53 =	vld [tilespmem:s17+$0x1A750]  }
0xd8: {  	[tilespmem:s17+$0x1C730] =	vst v1  }
0xd9: {  	v0 =	vld.idx.msk [tilespmem:v52+s3+$0x0], $0xffff;
	_ =	sdelay $0x3  }
0xda: {  	v54 =	vld [tilespmem:s17+$0x1A760]  }
0xdb: {  	[tilespmem:s17+$0x1C740] =	vst v0  }
0xdc: {  	v1 =	vld.idx.msk [tilespmem:v53+s3+$0x0], $0xffff;
	_ =	sdelay $0x3  }
0xdd: {  	v55 =	vld [tilespmem:s17+$0x1A770]  }
0xde: {  	[tilespmem:s17+$0x1C750] =	vst v1  }
0xdf: {  	v0 =	vld.idx.msk [tilespmem:v54+s3+$0x0], $0xffff;
	_ =	sdelay $0x3  }
0xe0: {  	v56 =	vld [tilespmem:s17+$0x1A780]  }
0xe1: {  	[tilespmem:s17+$0x1C760] =	vst v0  }
0xe2: {  	v1 =	vld.idx.msk [tilespmem:v55+s3+$0x0], $0xffff;
	_ =	sdelay $0x3  }
0xe3: {  	v57 =	vld [tilespmem:s17+$0x1A790]  }
0xe4: {  	[tilespmem:s17+$0x1C770] =	vst v1  }
0xe5: {  	v0 =	vld.idx.msk [tilespmem:v56+s3+$0x0], $0xffff;
	_ =	sdelay $0x3  }
0xe6: {  	v58 =	vld [tilespmem:s17+$0x1A7A0]  }
0xe7: {  	[tilespmem:s17+$0x1C780] =	vst v0  }
0xe8: {  	v1 =	vld.idx.msk [tilespmem:v57+s3+$0x0], $0xffff;
	_ =	sdelay $0x3  }
0xe9: {  	v59 =	vld [tilespmem:s17+$0x1A7B0]  }
0xea: {  	[tilespmem:s17+$0x1C790] =	vst v1  }
0xeb: {  	v0 =	vld.idx.msk [tilespmem:v58+s3+$0x0], $0xffff;
	_ =	sdelay $0x3  }
0xec: {  	v60 =	vld [tilespmem:s17+$0x1A7C0]  }
0xed: {  	[tilespmem:s17+$0x1C7A0] =	vst v0  }
0xee: {  	v1 =	vld.idx.msk [tilespmem:v59+s3+$0x0], $0xffff;
	_ =	sdelay $0x3  }
0xef: {  	v61 =	vld [tilespmem:s17+$0x1A7D0]  }
0xf0: {  	[tilespmem:s17+$0x1C7B0] =	vst v1  }
0xf1: {  	v0 =	vld.idx.msk [tilespmem:v60+s3+$0x0], $0xffff;
	_ =	sdelay $0x3  }
0xf2: {  	v62 =	vld [tilespmem:s17+$0x1A7E0]  }
0xf3: {  	[tilespmem:s17+$0x1C7C0] =	vst v0  }
0xf4: {  	v1 =	vld.idx.msk [tilespmem:v61+s3+$0x0], $0xffff;
	_ =	sdelay $0x3  }
0xf5: {  	v63 =	vld [tilespmem:s17+$0x1A7F0]  }
0xf6: {  	[tilespmem:s17+$0x1C7D0] =	vst v1  }
0xf7: {  	v0 =	vld.idx.msk [tilespmem:v62+s3+$0x0], $0xffff;
	_ =	sdelay $0x4  }
0xf8: {  	[tilespmem:s17+$0x1C7E0] =	vst v0  }
0xf9: {  	v0 =	vld.idx.msk [tilespmem:v63+s3+$0x0], $0xffff;
	_ =	sdelay $0x2  }
0xfa: {  	s14 =	sadd.s32 $0x1, s14  }
0xfb: {  	p0 =	sne.s32 s14, s7  }
.Ltmp2:
0xfc: {  	[tilespmem:s17+$0x1C7F0] =	vst v0;
	(pc) =	sbr.rel @p0 .LBB2_1-.Ltmp2, $4  }
0xfd: {  	[hbm4b:s6+s8] =	stream.strided.scatter [tilespmem:s13], [sflag:$0x2], $0x2000, s9, s8, $0x38;
	[tilespmem:$0x1E700] =	vst v63  }
0xfe: {  	_ =	swait.ge [sflag:s11], $0x2000  }
0xff: {  	[sflag:s11] =	ssyncset.done $0x0  }
0x100: {  	[sflag:s11] =	ssyncadd.s32 $0xFFFFE000  }
0x101: {  	_ =	sfence.sel $0x180000  }
0x102: {  	[bflag:$0x0] =	sbarrier.arrive $0xFFFF  }
0x103: {  	p0 =	sne.s32 s0, $0x0;
	_ =	strace $0x90000047  }
0x104: {  	s0 =	sadd.s32 @!p0 $0x100000, s1;
	[bflag:$0x2] =	sbarrier.arrive $0xFFFF  }
0x105: {  	[sflag:s0] =	ssyncadd.tile.s32 @!p0 $0x1;
	_ =	shalt  }
.Lfunc_end2:
_tile_overlayer_lowered:
.L_overlay_start_2:
0x106: {  	(tag) =	ssettag $0x2  }
0x107: {  	s0 =	rddreg [dreg:$0x0];
	s2 =	stileid.u32  }
0x108: {  	s1 =	rddreg [dreg:$0x1];
	p0 =	sne.s32 s2, $0x0  }
0x109: {  	s3 =	rddreg [dreg:$0x2];
	[bflag:$0x3] =	sbarrier.arrive $0xFFFF;
	s2 =	simm.s32 @!p0 $0x1C02  }
0x10a: {  	[timem:s3], [sflag:s2] =	dma.local @!p0 [hbm:s0], s1  }
0x10b: {  	s0 =	simm.s32 @!p0 $0x2  }
0x10c: {  	_ =	swait.ge @!p0 [sflag:s0], s1  }
0x10d: {  	s1 =	ssub.s32 @!p0 $0x0, s1;
	[sflag:s0] =	ssyncset.done @!p0 $0x0  }
0x10e: {  	[sflag:s0] =	ssyncadd.s32 @!p0 s1  }
0x10f: {  	[bflag:$0x3] =	sbarrier.arrive $0xFFFF  }
0x110: {  	_ =	shalt  }

</sc_bundles>
